<compile_context>
chip_gen: v7x
topology: tpu7x:2x2x1
jax: 0.10.2.dev20260603
libtpu: 0.0.44.dev20260713+nightly
codegen_flags: <defaults>
</compile_context>

<pallas_src>
import functools

import jax
import jax.numpy as jnp
from jax import lax
from jax.experimental import pallas as pl
from jax.experimental.pallas import tpu as pltpu
from jax.experimental.pallas import tpu_sc as plsc

_B = 1024
_IJ = 26 * 20
_SRC = 64
_DST = 32
_LANE = 128
_XP = _IJ * _SRC * (_B // _LANE)
_QP = _IJ * _DST * (_B // _LANE)
_NW = 32
_PPW = _QP // _NW
_CHUNK = 80
_NCHUNK = _PPW // _CHUNK
_NVEC = _CHUNK // 16


@functools.partial(
    pl.kernel,
    out_type=jax.ShapeDtypeStruct((_QP, _LANE), jnp.float32),
    mesh=plsc.VectorSubcoreMesh(core_axis_name="c", subcore_axis_name="s"),
    compiler_params=pltpu.CompilerParams(needs_layout_passes=False),
    scratch_types=[
        pltpu.VMEM((_DST,), jnp.int32),
        pltpu.VMEM((_NCHUNK, _CHUNK), jnp.int32),
        pltpu.VMEM((_CHUNK, _LANE), jnp.float32),
        pltpu.VMEM((_CHUNK, _LANE), jnp.float32),
        pltpu.VMEM((_CHUNK, _LANE), jnp.float32),
        pltpu.VMEM((_CHUNK, _LANE), jnp.float32),
        pltpu.SemaphoreType.DMA,
        pltpu.SemaphoreType.DMA,
        pltpu.SemaphoreType.DMA,
        pltpu.SemaphoreType.DMA,
        pltpu.SemaphoreType.DMA,
        pltpu.SemaphoreType.DMA,
        pltpu.SemaphoreType.DMA,
        pltpu.SemaphoreType.DMA,
    ],
)
def _index_select_sc(xp_hbm, idx_hbm, out_hbm, idxtab_v, idxbuf,
                     buf0, buf1, buf2, buf3,
                     g0, g1, g2, g3, w0, w1, w2, w3):
    wid = lax.axis_index("s") * 2 + lax.axis_index("c")
    qbase = wid * _PPW

    pltpu.sync_copy(idx_hbm, idxtab_v)
    iota = lax.iota(jnp.int32, 16)

    buf = (buf0, buf1, buf2, buf3)
    gsem = (g0, g1, g2, g3)
    wsem = (w0, w1, w2, w3)

    def fill_indices(t):
        q0 = qbase + t * _CHUNK

        @pl.loop(0, _NVEC)
        def _fill(v):
            q = q0 + v * 16 + iota
            ij = q >> 8
            r1 = q & 255
            k = ((r1 >> 6) << 3) | (r1 & 7)
            tc = (r1 >> 3) & 7
            c = plsc.load_gather(idxtab_v, [k])
            idxbuf[t, pl.ds(v * 16, 16)] = (
                (ij << 9) + ((c >> 3) << 6) + (tc << 3) + (c & 7)
            )

    def start_gather(t, b):
        return pltpu.async_copy(xp_hbm.at[idxbuf.at[t]], buf[b], gsem[b])

    def wait_gather(t, b):
        pltpu.make_async_copy(xp_hbm.at[idxbuf.at[t]], buf[b], gsem[b]).wait()

    def start_write(t, b):
        q0 = qbase + t * _CHUNK
        return pltpu.async_copy(buf[b], out_hbm.at[pl.ds(q0, _CHUNK)], wsem[b])

    def wait_write(t, b):
        q0 = qbase + t * _CHUNK
        pltpu.make_async_copy(buf[b], out_hbm.at[pl.ds(q0, _CHUNK)], wsem[b]).wait()

    @pl.loop(0, _NCHUNK // 4)
    def _steady(g):
        for j in range(4):
            t = g * 4 + j
            fill_indices(t)
            @pl.when(g > 0)
            def _():
                wait_write(t - 4, j)
            start_gather(t, j)
            bj = (j - 2) % 4
            if j >= 2:
                wait_gather(t - 2, bj)
                start_write(t - 2, bj)
            else:
                @pl.when(g > 0)
                def _():
                    wait_gather(t - 2, bj)
                    start_write(t - 2, bj)

    for t in range(_NCHUNK - 2, _NCHUNK):
        wait_gather(t, t % 4)
        start_write(t, t % 4)
    for t in range(_NCHUNK - 4, _NCHUNK):
        wait_write(t, t % 4)


def kernel(x, dim, index, out):
    axis = x.ndim - 1
    idx = (index + (dim - axis)).astype(jnp.int32)
    xp = (
        x.reshape(8, _LANE, 26, 20, 8, 8)
        .transpose(2, 3, 4, 0, 5, 1)
        .reshape(_XP, _LANE)
    )
    res = _index_select_sc(xp, idx)
    return (
        res.reshape(26, 20, 4, 8, 8, _LANE)
        .transpose(3, 5, 0, 1, 2, 4)
        .reshape(_B, 26, 20, _DST)
    )

# --- scband reference (transcript-rebuilt; emitter-appended) ---
"""Pipeline reference for scband-torch-ops-aten-index-select-out-module-53987738910900 (READ-ONLY COPY).

The authoritative reference and input builder live on the scoring server;
editing this copy changes nothing except your own understanding.
"""

import jax, jax.numpy as jnp
import numpy as np

def setup_inputs(seed: int = 0) -> dict:
    key = jax.random.key(seed)
    k1, k2 = jax.random.split(key)
    x = jax.random.normal(k1, (1024, 26, 20, 64), dtype=jnp.float32)
    dim = 3
    index = jax.random.randint(k2, (32,), 0, 64, dtype=jnp.int64)
    out = jnp.zeros((1024, 26, 20, 32), dtype=jnp.float32)
    return {"x": x, "dim": dim, "index": index, "out": out}

def reference(x, dim, index, out):
    # torch.ops.aten.index_select.out(x, dim, index, out=out):
    # gathers slices of x along `dim` at positions `index`, writing into `out`.
    # Functional JAX equivalent: the result IS the new value of `out`.
    axis = x.ndim - 1
    result = jnp.take(x, index + (dim - axis), axis=axis)
    return result

if __name__ == "__main__":
    import jax
    _d = setup_inputs()
    print(jax.jit(kernel)(*tuple(_d.values())))

</pallas_src>

<mosaic_0001>
#map = affine_map<(d0, d1) -> (0, 0)>
#map1 = affine_map<(d0, d1) -> (0)>
module attributes {stable_mosaic.version = 14 : i64} {
  func.func @_index_select_sc(%arg0: i32, %arg1: i32, %arg2: memref<266240x128xf32, #tpu.memory_space<hbm>>, %arg3: memref<32xi32, #tpu.memory_space<hbm>>, %arg4: memref<133120x128xf32, #tpu.memory_space<hbm>>, %arg5: memref<32xi32, #tpu.memory_space<vmem>>, %arg6: memref<52x80xi32, #tpu.memory_space<vmem>>, %arg7: memref<80x128xf32, #tpu.memory_space<vmem>>, %arg8: memref<80x128xf32, #tpu.memory_space<vmem>>, %arg9: memref<80x128xf32, #tpu.memory_space<vmem>>, %arg10: memref<80x128xf32, #tpu.memory_space<vmem>>, %arg11: memref<!tpu.dma_semaphore, #tpu.memory_space<semaphore_mem>>, %arg12: memref<!tpu.dma_semaphore, #tpu.memory_space<semaphore_mem>>, %arg13: memref<!tpu.dma_semaphore, #tpu.memory_space<semaphore_mem>>, %arg14: memref<!tpu.dma_semaphore, #tpu.memory_space<semaphore_mem>>, %arg15: memref<!tpu.dma_semaphore, #tpu.memory_space<semaphore_mem>>, %arg16: memref<!tpu.dma_semaphore, #tpu.memory_space<semaphore_mem>>, %arg17: memref<!tpu.dma_semaphore, #tpu.memory_space<semaphore_mem>>, %arg18: memref<!tpu.dma_semaphore, #tpu.memory_space<semaphore_mem>>) attributes {dimension_semantics = [#tpu.dimension_semantics<core_parallel>, #tpu.dimension_semantics<subcore_parallel>], iteration_bounds = array<i64: 2, 16>, scalar_prefetch = 0 : i64, scratch_operands = 14 : i64, tpu.core_type = #tpu.core_type<sc_vector_subcore>, window_params = [{transform_indices = #map}, {transform_indices = #map1}, {transform_indices = #map}]} {
    %mul3A = arith.constant 2 : i32
    %mul3A_0 = arith.muli %arg1, %mul3A : i32
    %add3A = arith.addi %mul3A_0, %arg0 : i32
    %mul3A_1 = arith.constant 4160 : i32
    %mul3A_2 = arith.muli %add3A, %mul3A_1 : i32
    "tpu.region"() ({
      %run_scoped3A = tpu.sem_alloc : memref<!tpu.dma_semaphore, #tpu.memory_space<semaphore_mem>>
      tpu.enqueue_dma source(%arg3 : memref<32xi32, #tpu.memory_space<hbm>>) target(%arg5 : memref<32xi32, #tpu.memory_space<vmem>>) target_semaphore(%run_scoped3A : memref<!tpu.dma_semaphore, #tpu.memory_space<semaphore_mem>>)
      tpu.wait_dma2 semaphore(%run_scoped3A : memref<!tpu.dma_semaphore, #tpu.memory_space<semaphore_mem>>) src(%arg3 : memref<32xi32, #tpu.memory_space<hbm>>) dst(%arg5 : memref<32xi32, #tpu.memory_space<vmem>>)
      tpu.yield
    }) : () -> ()
    %iota3A = tpu.iota {dimensions = array<i32: 0>} : vector<16xi32>
    %scan3A = arith.constant 0 : i32
    %scan3A_3 = arith.constant 13 : i32
    %scan3A_4 = arith.addi %scan3A, %scan3A_3 : i32
    %scan3A_5 = arith.constant 1 : i32
    scf.for %scan3A_55 = %scan3A to %scan3A_4 step %scan3A_5  : i32 {
      %mul3A_56 = arith.constant 1 : i32
      %mul3A_57 = arith.muli %scan3A_55, %mul3A_56 : i32
      %add3A_58 = arith.constant 0 : i32
      %add3A_59 = arith.addi %add3A_58, %mul3A_57 : i32
      %mul3A_60 = arith.constant 4 : i32
      %mul3A_61 = arith.muli %add3A_59, %mul3A_60 : i32
      %add3A_62 = arith.constant 0 : i32
      %add3A_63 = arith.addi %mul3A_61, %add3A_62 : i32
      %mul3A_64 = arith.constant 80 : i32
      %mul3A_65 = arith.muli %add3A_63, %mul3A_64 : i32
      %add3A_66 = arith.addi %mul3A_2, %mul3A_65 : i32
      %scan3A_67 = arith.constant 0 : i32
      %scan3A_68 = arith.constant 5 : i32
      %scan3A_69 = arith.addi %scan3A_67, %scan3A_68 : i32
      %scan3A_70 = arith.constant 1 : i32
      scf.for %scan3A_192 = %scan3A_67 to %scan3A_69 step %scan3A_70  : i32 {
        %mul3A_193 = arith.constant 1 : i32
        %mul3A_194 = arith.muli %scan3A_192, %mul3A_193 : i32
        %add3A_195 = arith.constant 0 : i32
        %add3A_196 = arith.addi %add3A_195, %mul3A_194 : i32
        %mul3A_197 = arith.constant 16 : i32
        %mul3A_198 = arith.muli %add3A_196, %mul3A_197 : i32
        %add3A_199 = arith.addi %add3A_66, %mul3A_198 : i32
        %add3A_200 = vector.broadcast %add3A_199 : i32 to vector<16xi32>
        %add3A_201 = arith.addi %add3A_200, %iota3A : vector<16xi32>
        %shift_right_arithmetic3A = arith.constant 8 : i32
        %shift_right_arithmetic3A_202 = vector.broadcast %shift_right_arithmetic3A : i32 to vector<16xi32>
        %shift_right_arithmetic3A_203 = arith.shrsi %add3A_201, %shift_right_arithmetic3A_202 : vector<16xi32>
        %and3A = arith.constant 255 : i32
        %and3A_204 = vector.broadcast %and3A : i32 to vector<16xi32>
        %and3A_205 = arith.andi %add3A_201, %and3A_204 : vector<16xi32>
        %shift_right_arithmetic3A_206 = arith.constant 6 : i32
        %shift_right_arithmetic3A_207 = vector.broadcast %shift_right_arithmetic3A_206 : i32 to vector<16xi32>
        %shift_right_arithmetic3A_208 = arith.shrsi %and3A_205, %shift_right_arithmetic3A_207 : vector<16xi32>
        %shift_left3A = arith.constant 3 : i32
        %shift_left3A_209 = vector.broadcast %shift_left3A : i32 to vector<16xi32>
        %shift_left3A_210 = arith.shli %shift_right_arithmetic3A_208, %shift_left3A_209 : vector<16xi32>
        %and3A_211 = arith.constant 7 : i32
        %and3A_212 = vector.broadcast %and3A_211 : i32 to vector<16xi32>
        %and3A_213 = arith.andi %and3A_205, %and3A_212 : vector<16xi32>
        %or3A = arith.ori %shift_left3A_210, %and3A_213 : vector<16xi32>
        %shift_right_arithmetic3A_214 = arith.constant 3 : i32
        %shift_right_arithmetic3A_215 = vector.broadcast %shift_right_arithmetic3A_214 : i32 to vector<16xi32>
        %shift_right_arithmetic3A_216 = arith.shrsi %and3A_205, %shift_right_arithmetic3A_215 : vector<16xi32>
        %and3A_217 = arith.constant 7 : i32
        %and3A_218 = vector.broadcast %and3A_217 : i32 to vector<16xi32>
        %and3A_219 = arith.andi %shift_right_arithmetic3A_216, %and3A_218 : vector<16xi32>
        %gather3A = tpu.vector_load_idx %arg5[%or3A] : memref<32xi32, #tpu.memory_space<vmem>>[vector<16xi32>], vector<16xi32>,
        %shift_left3A_220 = arith.constant 9 : i32
        %shift_left3A_221 = vector.broadcast %shift_left3A_220 : i32 to vector<16xi32>
        %shift_left3A_222 = arith.shli %shift_right_arithmetic3A_203, %shift_left3A_221 : vector<16xi32>
        %shift_right_arithmetic3A_223 = arith.constant 3 : i32
        %shift_right_arithmetic3A_224 = vector.broadcast %shift_right_arithmetic3A_223 : i32 to vector<16xi32>
        %shift_right_arithmetic3A_225 = arith.shrsi %gather3A, %shift_right_arithmetic3A_224 : vector<16xi32>
        %shift_left3A_226 = arith.constant 6 : i32
        %shift_left3A_227 = vector.broadcast %shift_left3A_226 : i32 to vector<16xi32>
        %shift_left3A_228 = arith.shli %shift_right_arithmetic3A_225, %shift_left3A_227 : vector<16xi32>
        %add3A_229 = arith.addi %shift_left3A_222, %shift_left3A_228 : vector<16xi32>
        %shift_left3A_230 = arith.constant 3 : i32
        %shift_left3A_231 = vector.broadcast %shift_left3A_230 : i32 to vector<16xi32>
        %shift_left3A_232 = arith.shli %and3A_219, %shift_left3A_231 : vector<16xi32>
        %add3A_233 = arith.addi %add3A_229, %shift_left3A_232 : vector<16xi32>
        %and3A_234 = arith.constant 7 : i32
        %and3A_235 = vector.broadcast %and3A_234 : i32 to vector<16xi32>
        %and3A_236 = arith.andi %gather3A, %and3A_235 : vector<16xi32>
        %add3A_237 = arith.addi %add3A_233, %and3A_236 : vector<16xi32>
        %mul3A_238 = arith.constant 16 : i32
        %mul3A_239 = arith.muli %add3A_196, %mul3A_238 : i32
        %swap3A = arith.index_cast %add3A_63 : i32 to index
        %swap3A_240 = arith.index_cast %mul3A_239 : i32 to index
        %swap3A_241 = tpu.vector_load %arg6[%swap3A, %swap3A_240] {strides = array<i32>} : memref<52x80xi32, #tpu.memory_space<vmem>>, vector<16xi32>,
        tpu.vector_store %arg6[%swap3A, %swap3A_240], %add3A_237 {strides = array<i32>} : memref<52x80xi32, #tpu.memory_space<vmem>>, vector<16xi32>,
      }
      %scan3A_71 = arith.constant 5 : i32
      %gt3A = arith.constant 0 : i32
      %gt3A_72 = arith.cmpi sgt, %add3A_59, %gt3A : i32
      %convert_element_type3A = arith.extui %gt3A_72 : i1 to i32
      %cond3A = arith.constant 0 : i32
      %cond3A_73 = arith.cmpi ne, %convert_element_type3A, %cond3A : i32
      scf.if %cond3A_73 {
        %sub3A_192 = arith.constant 4 : i32
        %sub3A_193 = arith.subi %add3A_63, %sub3A_192 : i32
        %mul3A_194 = arith.constant 80 : i32
        %mul3A_195 = arith.muli %sub3A_193, %mul3A_194 : i32
        %add3A_196 = arith.addi %mul3A_2, %mul3A_195 : i32
        %dma_wait3A_197 = arith.constant 0 : i32
        %dma_wait3A_198 = tpu.memref_slice %arg4[%add3A_196, %dma_wait3A_197] : memref<133120x128xf32, #tpu.memory_space<hbm>> -> memref<80x128xf32, #tpu.memory_space<hbm>>
        %dma_wait3A_199 = arith.constant 0 : i32
        %dma_wait3A_200 = tpu.memref_slice %arg4[%add3A_196, %dma_wait3A_199] : memref<133120x128xf32, #tpu.memory_space<hbm>> -> memref<80x128xf32, #tpu.memory_space<hbm>>
        tpu.wait_dma2 semaphore(%arg15 : memref<!tpu.dma_semaphore, #tpu.memory_space<semaphore_mem>>) src(%arg7 : memref<80x128xf32, #tpu.memory_space<vmem>>) dst(%dma_wait3A_200 : memref<80x128xf32, #tpu.memory_space<hbm>>)
      } else {
      }
      %dma_start3A_74 = arith.constant 0 : i32
      %dma_start3A_75 = tpu.memref_slice %arg6[%add3A_63, %dma_start3A_74] : memref<52x80xi32, #tpu.memory_space<vmem>> -> memref<1x80xi32, #tpu.memory_space<vmem>>
      %dma_start3A_76 = tpu.memref_squeeze %dma_start3A_75 : memref<1x80xi32, #tpu.memory_space<vmem>> -> memref<80xi32, #tpu.memory_space<vmem>>
      %dma_start3A_77 = arith.constant 0 : i32
      %dma_start3A_78 = arith.constant 0 : i32
      %dma_start3A_79 = tpu.memref_slice %arg2[%dma_start3A_77, %dma_start3A_78] : memref<266240x128xf32, #tpu.memory_space<hbm>> -> memref<266240x128xf32, #tpu.memory_space<hbm>>
      tpu.enqueue_indirect_dma source(%dma_start3A_79 : memref<266240x128xf32, #tpu.memory_space<hbm>>) target(%arg7 : memref<80x128xf32, #tpu.memory_space<vmem>>) offsets(%dma_start3A_76 : memref<80xi32, #tpu.memory_space<vmem>>) semaphore(%arg11 : memref<!tpu.dma_semaphore, #tpu.memory_space<semaphore_mem>>)
      %gt3A_80 = arith.constant 0 : i32
      %gt3A_81 = arith.cmpi sgt, %add3A_59, %gt3A_80 : i32
      %convert_element_type3A_82 = arith.extui %gt3A_81 : i1 to i32
      %cond3A_83 = arith.constant 0 : i32
      %cond3A_84 = arith.cmpi ne, %convert_element_type3A_82, %cond3A_83 : i32
      scf.if %cond3A_84 {
        %sub3A_192 = arith.constant 2 : i32
        %sub3A_193 = arith.subi %add3A_63, %sub3A_192 : i32
        %dma_wait3A_194 = arith.constant 0 : i32
        %dma_wait3A_195 = tpu.memref_slice %arg6[%sub3A_193, %dma_wait3A_194] : memref<52x80xi32, #tpu.memory_space<vmem>> -> memref<1x80xi32, #tpu.memory_space<vmem>>
        %dma_wait3A_196 = tpu.memref_squeeze %dma_wait3A_195 : memref<1x80xi32, #tpu.memory_space<vmem>> -> memref<80xi32, #tpu.memory_space<vmem>>
        %dma_wait3A_197 = arith.constant 0 : i32
        %dma_wait3A_198 = arith.constant 0 : i32
        %dma_wait3A_199 = tpu.memref_slice %arg2[%dma_wait3A_197, %dma_wait3A_198] : memref<266240x128xf32, #tpu.memory_space<hbm>> -> memref<266240x128xf32, #tpu.memory_space<hbm>>
        tpu.wait_indirect_dma semaphore(%arg13 : memref<!tpu.dma_semaphore, #tpu.memory_space<semaphore_mem>>) src(%dma_wait3A_199 : memref<266240x128xf32, #tpu.memory_space<hbm>>) dst(%arg9 : memref<80x128xf32, #tpu.memory_space<vmem>>)
        %sub3A_200 = arith.constant 2 : i32
        %sub3A_201 = arith.subi %add3A_63, %sub3A_200 : i32
        %mul3A_202 = arith.constant 80 : i32
        %mul3A_203 = arith.muli %sub3A_201, %mul3A_202 : i32
        %add3A_204 = arith.addi %mul3A_2, %mul3A_203 : i32
        %dma_start3A_205 = arith.constant 0 : i32
        %dma_start3A_206 = tpu.memref_slice %arg4[%add3A_204, %dma_start3A_205] : memref<133120x128xf32, #tpu.memory_space<hbm>> -> memref<80x128xf32, #tpu.memory_space<hbm>>
        %dma_start3A_207 = arith.constant 0 : i32
        %dma_start3A_208 = tpu.memref_slice %arg4[%add3A_204, %dma_start3A_207] : memref<133120x128xf32, #tpu.memory_space<hbm>> -> memref<80x128xf32, #tpu.memory_space<hbm>>
        tpu.enqueue_dma source(%arg9 : memref<80x128xf32, #tpu.memory_space<vmem>>) target(%dma_start3A_208 : memref<80x128xf32, #tpu.memory_space<hbm>>) target_semaphore(%arg17 : memref<!tpu.dma_semaphore, #tpu.memory_space<semaphore_mem>>)
      } else {
      }
      %mul3A_85 = arith.constant 4 : i32
      %mul3A_86 = arith.muli %add3A_59, %mul3A_85 : i32
      %add3A_87 = arith.constant 1 : i32
      %add3A_88 = arith.addi %mul3A_86, %add3A_87 : i32
      %mul3A_89 = arith.constant 80 : i32
      %mul3A_90 = arith.muli %add3A_88, %mul3A_89 : i32
      %add3A_91 = arith.addi %mul3A_2, %mul3A_90 : i32
      %scan3A_92 = arith.constant 0 : i32
      %scan3A_93 = arith.constant 5 : i32
      %scan3A_94 = arith.addi %scan3A_92, %scan3A_93 : i32
      %scan3A_95 = arith.constant 1 : i32
      scf.for %scan3A_192 = %scan3A_92 to %scan3A_94 step %scan3A_95  : i32 {
        %mul3A_193 = arith.constant 1 : i32
        %mul3A_194 = arith.muli %scan3A_192, %mul3A_193 : i32
        %add3A_195 = arith.constant 0 : i32
        %add3A_196 = arith.addi %add3A_195, %mul3A_194 : i32
        %mul3A_197 = arith.constant 16 : i32
        %mul3A_198 = arith.muli %add3A_196, %mul3A_197 : i32
        %add3A_199 = arith.addi %add3A_91, %mul3A_198 : i32
        %add3A_200 = vector.broadcast %add3A_199 : i32 to vector<16xi32>
        %add3A_201 = arith.addi %add3A_200, %iota3A : vector<16xi32>
        %shift_right_arithmetic3A = arith.constant 8 : i32
        %shift_right_arithmetic3A_202 = vector.broadcast %shift_right_arithmetic3A : i32 to vector<16xi32>
        %shift_right_arithmetic3A_203 = arith.shrsi %add3A_201, %shift_right_arithmetic3A_202 : vector<16xi32>
        %and3A = arith.constant 255 : i32
        %and3A_204 = vector.broadcast %and3A : i32 to vector<16xi32>
        %and3A_205 = arith.andi %add3A_201, %and3A_204 : vector<16xi32>
        %shift_right_arithmetic3A_206 = arith.constant 6 : i32
        %shift_right_arithmetic3A_207 = vector.broadcast %shift_right_arithmetic3A_206 : i32 to vector<16xi32>
        %shift_right_arithmetic3A_208 = arith.shrsi %and3A_205, %shift_right_arithmetic3A_207 : vector<16xi32>
        %shift_left3A = arith.constant 3 : i32
        %shift_left3A_209 = vector.broadcast %shift_left3A : i32 to vector<16xi32>
        %shift_left3A_210 = arith.shli %shift_right_arithmetic3A_208, %shift_left3A_209 : vector<16xi32>
        %and3A_211 = arith.constant 7 : i32
        %and3A_212 = vector.broadcast %and3A_211 : i32 to vector<16xi32>
        %and3A_213 = arith.andi %and3A_205, %and3A_212 : vector<16xi32>
        %or3A = arith.ori %shift_left3A_210, %and3A_213 : vector<16xi32>
        %shift_right_arithmetic3A_214 = arith.constant 3 : i32
        %shift_right_arithmetic3A_215 = vector.broadcast %shift_right_arithmetic3A_214 : i32 to vector<16xi32>
        %shift_right_arithmetic3A_216 = arith.shrsi %and3A_205, %shift_right_arithmetic3A_215 : vector<16xi32>
        %and3A_217 = arith.constant 7 : i32
        %and3A_218 = vector.broadcast %and3A_217 : i32 to vector<16xi32>
        %and3A_219 = arith.andi %shift_right_arithmetic3A_216, %and3A_218 : vector<16xi32>
        %gather3A = tpu.vector_load_idx %arg5[%or3A] : memref<32xi32, #tpu.memory_space<vmem>>[vector<16xi32>], vector<16xi32>,
        %shift_left3A_220 = arith.constant 9 : i32
        %shift_left3A_221 = vector.broadcast %shift_left3A_220 : i32 to vector<16xi32>
        %shift_left3A_222 = arith.shli %shift_right_arithmetic3A_203, %shift_left3A_221 : vector<16xi32>
        %shift_right_arithmetic3A_223 = arith.constant 3 : i32
        %shift_right_arithmetic3A_224 = vector.broadcast %shift_right_arithmetic3A_223 : i32 to vector<16xi32>
        %shift_right_arithmetic3A_225 = arith.shrsi %gather3A, %shift_right_arithmetic3A_224 : vector<16xi32>
        %shift_left3A_226 = arith.constant 6 : i32
        %shift_left3A_227 = vector.broadcast %shift_left3A_226 : i32 to vector<16xi32>
        %shift_left3A_228 = arith.shli %shift_right_arithmetic3A_225, %shift_left3A_227 : vector<16xi32>
        %add3A_229 = arith.addi %shift_left3A_222, %shift_left3A_228 : vector<16xi32>
        %shift_left3A_230 = arith.constant 3 : i32
        %shift_left3A_231 = vector.broadcast %shift_left3A_230 : i32 to vector<16xi32>
        %shift_left3A_232 = arith.shli %and3A_219, %shift_left3A_231 : vector<16xi32>
        %add3A_233 = arith.addi %add3A_229, %shift_left3A_232 : vector<16xi32>
        %and3A_234 = arith.constant 7 : i32
        %and3A_235 = vector.broadcast %and3A_234 : i32 to vector<16xi32>
        %and3A_236 = arith.andi %gather3A, %and3A_235 : vector<16xi32>
        %add3A_237 = arith.addi %add3A_233, %and3A_236 : vector<16xi32>
        %mul3A_238 = arith.constant 16 : i32
        %mul3A_239 = arith.muli %add3A_196, %mul3A_238 : i32
        %swap3A = arith.index_cast %add3A_88 : i32 to index
        %swap3A_240 = arith.index_cast %mul3A_239 : i32 to index
        %swap3A_241 = tpu.vector_load %arg6[%swap3A, %swap3A_240] {strides = array<i32>} : memref<52x80xi32, #tpu.memory_space<vmem>>, vector<16xi32>,
        tpu.vector_store %arg6[%swap3A, %swap3A_240], %add3A_237 {strides = array<i32>} : memref<52x80xi32, #tpu.memory_space<vmem>>, vector<16xi32>,
      }
      %scan3A_96 = arith.constant 5 : i32
      %gt3A_97 = arith.constant 0 : i32
      %gt3A_98 = arith.cmpi sgt, %add3A_59, %gt3A_97 : i32
      %convert_element_type3A_99 = arith.extui %gt3A_98 : i1 to i32
      %cond3A_100 = arith.constant 0 : i32
      %cond3A_101 = arith.cmpi ne, %convert_element_type3A_99, %cond3A_100 : i32
      scf.if %cond3A_101 {
        %sub3A_192 = arith.constant 4 : i32
        %sub3A_193 = arith.subi %add3A_88, %sub3A_192 : i32
        %mul3A_194 = arith.constant 80 : i32
        %mul3A_195 = arith.muli %sub3A_193, %mul3A_194 : i32
        %add3A_196 = arith.addi %mul3A_2, %mul3A_195 : i32
        %dma_wait3A_197 = arith.constant 0 : i32
        %dma_wait3A_198 = tpu.memref_slice %arg4[%add3A_196, %dma_wait3A_197] : memref<133120x128xf32, #tpu.memory_space<hbm>> -> memref<80x128xf32, #tpu.memory_space<hbm>>
        %dma_wait3A_199 = arith.constant 0 : i32
        %dma_wait3A_200 = tpu.memref_slice %arg4[%add3A_196, %dma_wait3A_199] : memref<133120x128xf32, #tpu.memory_space<hbm>> -> memref<80x128xf32, #tpu.memory_space<hbm>>
        tpu.wait_dma2 semaphore(%arg16 : memref<!tpu.dma_semaphore, #tpu.memory_space<semaphore_mem>>) src(%arg8 : memref<80x128xf32, #tpu.memory_space<vmem>>) dst(%dma_wait3A_200 : memref<80x128xf32, #tpu.memory_space<hbm>>)
      } else {
      }
      %dma_start3A_102 = arith.constant 0 : i32
      %dma_start3A_103 = tpu.memref_slice %arg6[%add3A_88, %dma_start3A_102] : memref<52x80xi32, #tpu.memory_space<vmem>> -> memref<1x80xi32, #tpu.memory_space<vmem>>
      %dma_start3A_104 = tpu.memref_squeeze %dma_start3A_103 : memref<1x80xi32, #tpu.memory_space<vmem>> -> memref<80xi32, #tpu.memory_space<vmem>>
      %dma_start3A_105 = arith.constant 0 : i32
      %dma_start3A_106 = arith.constant 0 : i32
      %dma_start3A_107 = tpu.memref_slice %arg2[%dma_start3A_105, %dma_start3A_106] : memref<266240x128xf32, #tpu.memory_space<hbm>> -> memref<266240x128xf32, #tpu.memory_space<hbm>>
      tpu.enqueue_indirect_dma source(%dma_start3A_107 : memref<266240x128xf32, #tpu.memory_space<hbm>>) target(%arg8 : memref<80x128xf32, #tpu.memory_space<vmem>>) offsets(%dma_start3A_104 : memref<80xi32, #tpu.memory_space<vmem>>) semaphore(%arg12 : memref<!tpu.dma_semaphore, #tpu.memory_space<semaphore_mem>>)
      %gt3A_108 = arith.constant 0 : i32
      %gt3A_109 = arith.cmpi sgt, %add3A_59, %gt3A_108 : i32
      %convert_element_type3A_110 = arith.extui %gt3A_109 : i1 to i32
      %cond3A_111 = arith.constant 0 : i32
      %cond3A_112 = arith.cmpi ne, %convert_element_type3A_110, %cond3A_111 : i32
      scf.if %cond3A_112 {
        %sub3A_192 = arith.constant 2 : i32
        %sub3A_193 = arith.subi %add3A_88, %sub3A_192 : i32
        %dma_wait3A_194 = arith.constant 0 : i32
        %dma_wait3A_195 = tpu.memref_slice %arg6[%sub3A_193, %dma_wait3A_194] : memref<52x80xi32, #tpu.memory_space<vmem>> -> memref<1x80xi32, #tpu.memory_space<vmem>>
        %dma_wait3A_196 = tpu.memref_squeeze %dma_wait3A_195 : memref<1x80xi32, #tpu.memory_space<vmem>> -> memref<80xi32, #tpu.memory_space<vmem>>
        %dma_wait3A_197 = arith.constant 0 : i32
        %dma_wait3A_198 = arith.constant 0 : i32
        %dma_wait3A_199 = tpu.memref_slice %arg2[%dma_wait3A_197, %dma_wait3A_198] : memref<266240x128xf32, #tpu.memory_space<hbm>> -> memref<266240x128xf32, #tpu.memory_space<hbm>>
        tpu.wait_indirect_dma semaphore(%arg14 : memref<!tpu.dma_semaphore, #tpu.memory_space<semaphore_mem>>) src(%dma_wait3A_199 : memref<266240x128xf32, #tpu.memory_space<hbm>>) dst(%arg10 : memref<80x128xf32, #tpu.memory_space<vmem>>)
        %sub3A_200 = arith.constant 2 : i32
        %sub3A_201 = arith.subi %add3A_88, %sub3A_200 : i32
        %mul3A_202 = arith.constant 80 : i32
        %mul3A_203 = arith.muli %sub3A_201, %mul3A_202 : i32
        %add3A_204 = arith.addi %mul3A_2, %mul3A_203 : i32
        %dma_start3A_205 = arith.constant 0 : i32
        %dma_start3A_206 = tpu.memref_slice %arg4[%add3A_204, %dma_start3A_205] : memref<133120x128xf32, #tpu.memory_space<hbm>> -> memref<80x128xf32, #tpu.memory_space<hbm>>
        %dma_start3A_207 = arith.constant 0 : i32
        %dma_start3A_208 = tpu.memref_slice %arg4[%add3A_204, %dma_start3A_207] : memref<133120x128xf32, #tpu.memory_space<hbm>> -> memref<80x128xf32, #tpu.memory_space<hbm>>
        tpu.enqueue_dma source(%arg10 : memref<80x128xf32, #tpu.memory_space<vmem>>) target(%dma_start3A_208 : memref<80x128xf32, #tpu.memory_space<hbm>>) target_semaphore(%arg18 : memref<!tpu.dma_semaphore, #tpu.memory_space<semaphore_mem>>)
      } else {
      }
      %mul3A_113 = arith.constant 4 : i32
      %mul3A_114 = arith.muli %add3A_59, %mul3A_113 : i32
      %add3A_115 = arith.constant 2 : i32
      %add3A_116 = arith.addi %mul3A_114, %add3A_115 : i32
      %mul3A_117 = arith.constant 80 : i32
      %mul3A_118 = arith.muli %add3A_116, %mul3A_117 : i32
      %add3A_119 = arith.addi %mul3A_2, %mul3A_118 : i32
      %scan3A_120 = arith.constant 0 : i32
      %scan3A_121 = arith.constant 5 : i32
      %scan3A_122 = arith.addi %scan3A_120, %scan3A_121 : i32
      %scan3A_123 = arith.constant 1 : i32
      scf.for %scan3A_192 = %scan3A_120 to %scan3A_122 step %scan3A_123  : i32 {
        %mul3A_193 = arith.constant 1 : i32
        %mul3A_194 = arith.muli %scan3A_192, %mul3A_193 : i32
        %add3A_195 = arith.constant 0 : i32
        %add3A_196 = arith.addi %add3A_195, %mul3A_194 : i32
        %mul3A_197 = arith.constant 16 : i32
        %mul3A_198 = arith.muli %add3A_196, %mul3A_197 : i32
        %add3A_199 = arith.addi %add3A_119, %mul3A_198 : i32
        %add3A_200 = vector.broadcast %add3A_199 : i32 to vector<16xi32>
        %add3A_201 = arith.addi %add3A_200, %iota3A : vector<16xi32>
        %shift_right_arithmetic3A = arith.constant 8 : i32
        %shift_right_arithmetic3A_202 = vector.broadcast %shift_right_arithmetic3A : i32 to vector<16xi32>
        %shift_right_arithmetic3A_203 = arith.shrsi %add3A_201, %shift_right_arithmetic3A_202 : vector<16xi32>
        %and3A = arith.constant 255 : i32
        %and3A_204 = vector.broadcast %and3A : i32 to vector<16xi32>
        %and3A_205 = arith.andi %add3A_201, %and3A_204 : vector<16xi32>
        %shift_right_arithmetic3A_206 = arith.constant 6 : i32
        %shift_right_arithmetic3A_207 = vector.broadcast %shift_right_arithmetic3A_206 : i32 to vector<16xi32>
        %shift_right_arithmetic3A_208 = arith.shrsi %and3A_205, %shift_right_arithmetic3A_207 : vector<16xi32>
        %shift_left3A = arith.constant 3 : i32
        %shift_left3A_209 = vector.broadcast %shift_left3A : i32 to vector<16xi32>
        %shift_left3A_210 = arith.shli %shift_right_arithmetic3A_208, %shift_left3A_209 : vector<16xi32>
        %and3A_211 = arith.constant 7 : i32
        %and3A_212 = vector.broadcast %and3A_211 : i32 to vector<16xi32>
        %and3A_213 = arith.andi %and3A_205, %and3A_212 : vector<16xi32>
        %or3A = arith.ori %shift_left3A_210, %and3A_213 : vector<16xi32>
        %shift_right_arithmetic3A_214 = arith.constant 3 : i32
        %shift_right_arithmetic3A_215 = vector.broadcast %shift_right_arithmetic3A_214 : i32 to vector<16xi32>
        %shift_right_arithmetic3A_216 = arith.shrsi %and3A_205, %shift_right_arithmetic3A_215 : vector<16xi32>
        %and3A_217 = arith.constant 7 : i32
        %and3A_218 = vector.broadcast %and3A_217 : i32 to vector<16xi32>
        %and3A_219 = arith.andi %shift_right_arithmetic3A_216, %and3A_218 : vector<16xi32>
        %gather3A = tpu.vector_load_idx %arg5[%or3A] : memref<32xi32, #tpu.memory_space<vmem>>[vector<16xi32>], vector<16xi32>,
        %shift_left3A_220 = arith.constant 9 : i32
        %shift_left3A_221 = vector.broadcast %shift_left3A_220 : i32 to vector<16xi32>
        %shift_left3A_222 = arith.shli %shift_right_arithmetic3A_203, %shift_left3A_221 : vector<16xi32>
        %shift_right_arithmetic3A_223 = arith.constant 3 : i32
        %shift_right_arithmetic3A_224 = vector.broadcast %shift_right_arithmetic3A_223 : i32 to vector<16xi32>
        %shift_right_arithmetic3A_225 = arith.shrsi %gather3A, %shift_right_arithmetic3A_224 : vector<16xi32>
        %shift_left3A_226 = arith.constant 6 : i32
        %shift_left3A_227 = vector.broadcast %shift_left3A_226 : i32 to vector<16xi32>
        %shift_left3A_228 = arith.shli %shift_right_arithmetic3A_225, %shift_left3A_227 : vector<16xi32>
        %add3A_229 = arith.addi %shift_left3A_222, %shift_left3A_228 : vector<16xi32>
        %shift_left3A_230 = arith.constant 3 : i32
        %shift_left3A_231 = vector.broadcast %shift_left3A_230 : i32 to vector<16xi32>
        %shift_left3A_232 = arith.shli %and3A_219, %shift_left3A_231 : vector<16xi32>
        %add3A_233 = arith.addi %add3A_229, %shift_left3A_232 : vector<16xi32>
        %and3A_234 = arith.constant 7 : i32
        %and3A_235 = vector.broadcast %and3A_234 : i32 to vector<16xi32>
        %and3A_236 = arith.andi %gather3A, %and3A_235 : vector<16xi32>
        %add3A_237 = arith.addi %add3A_233, %and3A_236 : vector<16xi32>
        %mul3A_238 = arith.constant 16 : i32
        %mul3A_239 = arith.muli %add3A_196, %mul3A_238 : i32
        %swap3A = arith.index_cast %add3A_116 : i32 to index
        %swap3A_240 = arith.index_cast %mul3A_239 : i32 to index
        %swap3A_241 = tpu.vector_load %arg6[%swap3A, %swap3A_240] {strides = array<i32>} : memref<52x80xi32, #tpu.memory_space<vmem>>, vector<16xi32>,
        tpu.vector_store %arg6[%swap3A, %swap3A_240], %add3A_237 {strides = array<i32>} : memref<52x80xi32, #tpu.memory_space<vmem>>, vector<16xi32>,
      }
      %scan3A_124 = arith.constant 5 : i32
      %gt3A_125 = arith.constant 0 : i32
      %gt3A_126 = arith.cmpi sgt, %add3A_59, %gt3A_125 : i32
      %convert_element_type3A_127 = arith.extui %gt3A_126 : i1 to i32
      %cond3A_128 = arith.constant 0 : i32
      %cond3A_129 = arith.cmpi ne, %convert_element_type3A_127, %cond3A_128 : i32
      scf.if %cond3A_129 {
        %sub3A_192 = arith.constant 4 : i32
        %sub3A_193 = arith.subi %add3A_116, %sub3A_192 : i32
        %mul3A_194 = arith.constant 80 : i32
        %mul3A_195 = arith.muli %sub3A_193, %mul3A_194 : i32
        %add3A_196 = arith.addi %mul3A_2, %mul3A_195 : i32
        %dma_wait3A_197 = arith.constant 0 : i32
        %dma_wait3A_198 = tpu.memref_slice %arg4[%add3A_196, %dma_wait3A_197] : memref<133120x128xf32, #tpu.memory_space<hbm>> -> memref<80x128xf32, #tpu.memory_space<hbm>>
        %dma_wait3A_199 = arith.constant 0 : i32
        %dma_wait3A_200 = tpu.memref_slice %arg4[%add3A_196, %dma_wait3A_199] : memref<133120x128xf32, #tpu.memory_space<hbm>> -> memref<80x128xf32, #tpu.memory_space<hbm>>
        tpu.wait_dma2 semaphore(%arg17 : memref<!tpu.dma_semaphore, #tpu.memory_space<semaphore_mem>>) src(%arg9 : memref<80x128xf32, #tpu.memory_space<vmem>>) dst(%dma_wait3A_200 : memref<80x128xf32, #tpu.memory_space<hbm>>)
      } else {
      }
      %dma_start3A_130 = arith.constant 0 : i32
      %dma_start3A_131 = tpu.memref_slice %arg6[%add3A_116, %dma_start3A_130] : memref<52x80xi32, #tpu.memory_space<vmem>> -> memref<1x80xi32, #tpu.memory_space<vmem>>
      %dma_start3A_132 = tpu.memref_squeeze %dma_start3A_131 : memref<1x80xi32, #tpu.memory_space<vmem>> -> memref<80xi32, #tpu.memory_space<vmem>>
      %dma_start3A_133 = arith.constant 0 : i32
      %dma_start3A_134 = arith.constant 0 : i32
      %dma_start3A_135 = tpu.memref_slice %arg2[%dma_start3A_133, %dma_start3A_134] : memref<266240x128xf32, #tpu.memory_space<hbm>> -> memref<266240x128xf32, #tpu.memory_space<hbm>>
      tpu.enqueue_indirect_dma source(%dma_start3A_135 : memref<266240x128xf32, #tpu.memory_space<hbm>>) target(%arg9 : memref<80x128xf32, #tpu.memory_space<vmem>>) offsets(%dma_start3A_132 : memref<80xi32, #tpu.memory_space<vmem>>) semaphore(%arg13 : memref<!tpu.dma_semaphore, #tpu.memory_space<semaphore_mem>>)
      %sub3A = arith.constant 2 : i32
      %sub3A_136 = arith.subi %add3A_116, %sub3A : i32
      %dma_wait3A_137 = arith.constant 0 : i32
      %dma_wait3A_138 = tpu.memref_slice %arg6[%sub3A_136, %dma_wait3A_137] : memref<52x80xi32, #tpu.memory_space<vmem>> -> memref<1x80xi32, #tpu.memory_space<vmem>>
      %dma_wait3A_139 = tpu.memref_squeeze %dma_wait3A_138 : memref<1x80xi32, #tpu.memory_space<vmem>> -> memref<80xi32, #tpu.memory_space<vmem>>
      %dma_wait3A_140 = arith.constant 0 : i32
      %dma_wait3A_141 = arith.constant 0 : i32
      %dma_wait3A_142 = tpu.memref_slice %arg2[%dma_wait3A_140, %dma_wait3A_141] : memref<266240x128xf32, #tpu.memory_space<hbm>> -> memref<266240x128xf32, #tpu.memory_space<hbm>>
      tpu.wait_indirect_dma semaphore(%arg11 : memref<!tpu.dma_semaphore, #tpu.memory_space<semaphore_mem>>) src(%dma_wait3A_142 : memref<266240x128xf32, #tpu.memory_space<hbm>>) dst(%arg7 : memref<80x128xf32, #tpu.memory_space<vmem>>)
      %sub3A_143 = arith.constant 2 : i32
      %sub3A_144 = arith.subi %add3A_116, %sub3A_143 : i32
      %mul3A_145 = arith.constant 80 : i32
      %mul3A_146 = arith.muli %sub3A_144, %mul3A_145 : i32
      %add3A_147 = arith.addi %mul3A_2, %mul3A_146 : i32
      %dma_start3A_148 = arith.constant 0 : i32
      %dma_start3A_149 = tpu.memref_slice %arg4[%add3A_147, %dma_start3A_148] : memref<133120x128xf32, #tpu.memory_space<hbm>> -> memref<80x128xf32, #tpu.memory_space<hbm>>
      %dma_start3A_150 = arith.constant 0 : i32
      %dma_start3A_151 = tpu.memref_slice %arg4[%add3A_147, %dma_start3A_150] : memref<133120x128xf32, #tpu.memory_space<hbm>> -> memref<80x128xf32, #tpu.memory_space<hbm>>
      tpu.enqueue_dma source(%arg7 : memref<80x128xf32, #tpu.memory_space<vmem>>) target(%dma_start3A_151 : memref<80x128xf32, #tpu.memory_space<hbm>>) target_semaphore(%arg15 : memref<!tpu.dma_semaphore, #tpu.memory_space<semaphore_mem>>)
      %mul3A_152 = arith.constant 4 : i32
      %mul3A_153 = arith.muli %add3A_59, %mul3A_152 : i32
      %add3A_154 = arith.constant 3 : i32
      %add3A_155 = arith.addi %mul3A_153, %add3A_154 : i32
      %mul3A_156 = arith.constant 80 : i32
      %mul3A_157 = arith.muli %add3A_155, %mul3A_156 : i32
      %add3A_158 = arith.addi %mul3A_2, %mul3A_157 : i32
      %scan3A_159 = arith.constant 0 : i32
      %scan3A_160 = arith.constant 5 : i32
      %scan3A_161 = arith.addi %scan3A_159, %scan3A_160 : i32
      %scan3A_162 = arith.constant 1 : i32
      scf.for %scan3A_192 = %scan3A_159 to %scan3A_161 step %scan3A_162  : i32 {
        %mul3A_193 = arith.constant 1 : i32
        %mul3A_194 = arith.muli %scan3A_192, %mul3A_193 : i32
        %add3A_195 = arith.constant 0 : i32
        %add3A_196 = arith.addi %add3A_195, %mul3A_194 : i32
        %mul3A_197 = arith.constant 16 : i32
        %mul3A_198 = arith.muli %add3A_196, %mul3A_197 : i32
        %add3A_199 = arith.addi %add3A_158, %mul3A_198 : i32
        %add3A_200 = vector.broadcast %add3A_199 : i32 to vector<16xi32>
        %add3A_201 = arith.addi %add3A_200, %iota3A : vector<16xi32>
        %shift_right_arithmetic3A = arith.constant 8 : i32
        %shift_right_arithmetic3A_202 = vector.broadcast %shift_right_arithmetic3A : i32 to vector<16xi32>
        %shift_right_arithmetic3A_203 = arith.shrsi %add3A_201, %shift_right_arithmetic3A_202 : vector<16xi32>
        %and3A = arith.constant 255 : i32
        %and3A_204 = vector.broadcast %and3A : i32 to vector<16xi32>
        %and3A_205 = arith.andi %add3A_201, %and3A_204 : vector<16xi32>
        %shift_right_arithmetic3A_206 = arith.constant 6 : i32
        %shift_right_arithmetic3A_207 = vector.broadcast %shift_right_arithmetic3A_206 : i32 to vector<16xi32>
        %shift_right_arithmetic3A_208 = arith.shrsi %and3A_205, %shift_right_arithmetic3A_207 : vector<16xi32>
        %shift_left3A = arith.constant 3 : i32
        %shift_left3A_209 = vector.broadcast %shift_left3A : i32 to vector<16xi32>
        %shift_left3A_210 = arith.shli %shift_right_arithmetic3A_208, %shift_left3A_209 : vector<16xi32>
        %and3A_211 = arith.constant 7 : i32
        %and3A_212 = vector.broadcast %and3A_211 : i32 to vector<16xi32>
        %and3A_213 = arith.andi %and3A_205, %and3A_212 : vector<16xi32>
        %or3A = arith.ori %shift_left3A_210, %and3A_213 : vector<16xi32>
        %shift_right_arithmetic3A_214 = arith.constant 3 : i32
        %shift_right_arithmetic3A_215 = vector.broadcast %shift_right_arithmetic3A_214 : i32 to vector<16xi32>
        %shift_right_arithmetic3A_216 = arith.shrsi %and3A_205, %shift_right_arithmetic3A_215 : vector<16xi32>
        %and3A_217 = arith.constant 7 : i32
        %and3A_218 = vector.broadcast %and3A_217 : i32 to vector<16xi32>
        %and3A_219 = arith.andi %shift_right_arithmetic3A_216, %and3A_218 : vector<16xi32>
        %gather3A = tpu.vector_load_idx %arg5[%or3A] : memref<32xi32, #tpu.memory_space<vmem>>[vector<16xi32>], vector<16xi32>,
        %shift_left3A_220 = arith.constant 9 : i32
        %shift_left3A_221 = vector.broadcast %shift_left3A_220 : i32 to vector<16xi32>
        %shift_left3A_222 = arith.shli %shift_right_arithmetic3A_203, %shift_left3A_221 : vector<16xi32>
        %shift_right_arithmetic3A_223 = arith.constant 3 : i32
        %shift_right_arithmetic3A_224 = vector.broadcast %shift_right_arithmetic3A_223 : i32 to vector<16xi32>
        %shift_right_arithmetic3A_225 = arith.shrsi %gather3A, %shift_right_arithmetic3A_224 : vector<16xi32>
        %shift_left3A_226 = arith.constant 6 : i32
        %shift_left3A_227 = vector.broadcast %shift_left3A_226 : i32 to vector<16xi32>
        %shift_left3A_228 = arith.shli %shift_right_arithmetic3A_225, %shift_left3A_227 : vector<16xi32>
        %add3A_229 = arith.addi %shift_left3A_222, %shift_left3A_228 : vector<16xi32>
        %shift_left3A_230 = arith.constant 3 : i32
        %shift_left3A_231 = vector.broadcast %shift_left3A_230 : i32 to vector<16xi32>
        %shift_left3A_232 = arith.shli %and3A_219, %shift_left3A_231 : vector<16xi32>
        %add3A_233 = arith.addi %add3A_229, %shift_left3A_232 : vector<16xi32>
        %and3A_234 = arith.constant 7 : i32
        %and3A_235 = vector.broadcast %and3A_234 : i32 to vector<16xi32>
        %and3A_236 = arith.andi %gather3A, %and3A_235 : vector<16xi32>
        %add3A_237 = arith.addi %add3A_233, %and3A_236 : vector<16xi32>
        %mul3A_238 = arith.constant 16 : i32
        %mul3A_239 = arith.muli %add3A_196, %mul3A_238 : i32
        %swap3A = arith.index_cast %add3A_155 : i32 to index
        %swap3A_240 = arith.index_cast %mul3A_239 : i32 to index
        %swap3A_241 = tpu.vector_load %arg6[%swap3A, %swap3A_240] {strides = array<i32>} : memref<52x80xi32, #tpu.memory_space<vmem>>, vector<16xi32>,
        tpu.vector_store %arg6[%swap3A, %swap3A_240], %add3A_237 {strides = array<i32>} : memref<52x80xi32, #tpu.memory_space<vmem>>, vector<16xi32>,
      }
      %scan3A_163 = arith.constant 5 : i32
      %gt3A_164 = arith.constant 0 : i32
      %gt3A_165 = arith.cmpi sgt, %add3A_59, %gt3A_164 : i32
      %convert_element_type3A_166 = arith.extui %gt3A_165 : i1 to i32
      %cond3A_167 = arith.constant 0 : i32
      %cond3A_168 = arith.cmpi ne, %convert_element_type3A_166, %cond3A_167 : i32
      scf.if %cond3A_168 {
        %sub3A_192 = arith.constant 4 : i32
        %sub3A_193 = arith.subi %add3A_155, %sub3A_192 : i32
        %mul3A_194 = arith.constant 80 : i32
        %mul3A_195 = arith.muli %sub3A_193, %mul3A_194 : i32
        %add3A_196 = arith.addi %mul3A_2, %mul3A_195 : i32
        %dma_wait3A_197 = arith.constant 0 : i32
        %dma_wait3A_198 = tpu.memref_slice %arg4[%add3A_196, %dma_wait3A_197] : memref<133120x128xf32, #tpu.memory_space<hbm>> -> memref<80x128xf32, #tpu.memory_space<hbm>>
        %dma_wait3A_199 = arith.constant 0 : i32
        %dma_wait3A_200 = tpu.memref_slice %arg4[%add3A_196, %dma_wait3A_199] : memref<133120x128xf32, #tpu.memory_space<hbm>> -> memref<80x128xf32, #tpu.memory_space<hbm>>
        tpu.wait_dma2 semaphore(%arg18 : memref<!tpu.dma_semaphore, #tpu.memory_space<semaphore_mem>>) src(%arg10 : memref<80x128xf32, #tpu.memory_space<vmem>>) dst(%dma_wait3A_200 : memref<80x128xf32, #tpu.memory_space<hbm>>)
      } else {
      }
      %dma_start3A_169 = arith.constant 0 : i32
      %dma_start3A_170 = tpu.memref_slice %arg6[%add3A_155, %dma_start3A_169] : memref<52x80xi32, #tpu.memory_space<vmem>> -> memref<1x80xi32, #tpu.memory_space<vmem>>
      %dma_start3A_171 = tpu.memref_squeeze %dma_start3A_170 : memref<1x80xi32, #tpu.memory_space<vmem>> -> memref<80xi32, #tpu.memory_space<vmem>>
      %dma_start3A_172 = arith.constant 0 : i32
      %dma_start3A_173 = arith.constant 0 : i32
      %dma_start3A_174 = tpu.memref_slice %arg2[%dma_start3A_172, %dma_start3A_173] : memref<266240x128xf32, #tpu.memory_space<hbm>> -> memref<266240x128xf32, #tpu.memory_space<hbm>>
      tpu.enqueue_indirect_dma source(%dma_start3A_174 : memref<266240x128xf32, #tpu.memory_space<hbm>>) target(%arg10 : memref<80x128xf32, #tpu.memory_space<vmem>>) offsets(%dma_start3A_171 : memref<80xi32, #tpu.memory_space<vmem>>) semaphore(%arg14 : memref<!tpu.dma_semaphore, #tpu.memory_space<semaphore_mem>>)
      %sub3A_175 = arith.constant 2 : i32
      %sub3A_176 = arith.subi %add3A_155, %sub3A_175 : i32
      %dma_wait3A_177 = arith.constant 0 : i32
      %dma_wait3A_178 = tpu.memref_slice %arg6[%sub3A_176, %dma_wait3A_177] : memref<52x80xi32, #tpu.memory_space<vmem>> -> memref<1x80xi32, #tpu.memory_space<vmem>>
      %dma_wait3A_179 = tpu.memref_squeeze %dma_wait3A_178 : memref<1x80xi32, #tpu.memory_space<vmem>> -> memref<80xi32, #tpu.memory_space<vmem>>
      %dma_wait3A_180 = arith.constant 0 : i32
      %dma_wait3A_181 = arith.constant 0 : i32
      %dma_wait3A_182 = tpu.memref_slice %arg2[%dma_wait3A_180, %dma_wait3A_181] : memref<266240x128xf32, #tpu.memory_space<hbm>> -> memref<266240x128xf32, #tpu.memory_space<hbm>>
      tpu.wait_indirect_dma semaphore(%arg12 : memref<!tpu.dma_semaphore, #tpu.memory_space<semaphore_mem>>) src(%dma_wait3A_182 : memref<266240x128xf32, #tpu.memory_space<hbm>>) dst(%arg8 : memref<80x128xf32, #tpu.memory_space<vmem>>)
      %sub3A_183 = arith.constant 2 : i32
      %sub3A_184 = arith.subi %add3A_155, %sub3A_183 : i32
      %mul3A_185 = arith.constant 80 : i32
      %mul3A_186 = arith.muli %sub3A_184, %mul3A_185 : i32
      %add3A_187 = arith.addi %mul3A_2, %mul3A_186 : i32
      %dma_start3A_188 = arith.constant 0 : i32
      %dma_start3A_189 = tpu.memref_slice %arg4[%add3A_187, %dma_start3A_188] : memref<133120x128xf32, #tpu.memory_space<hbm>> -> memref<80x128xf32, #tpu.memory_space<hbm>>
      %dma_start3A_190 = arith.constant 0 : i32
      %dma_start3A_191 = tpu.memref_slice %arg4[%add3A_187, %dma_start3A_190] : memref<133120x128xf32, #tpu.memory_space<hbm>> -> memref<80x128xf32, #tpu.memory_space<hbm>>
      tpu.enqueue_dma source(%arg8 : memref<80x128xf32, #tpu.memory_space<vmem>>) target(%dma_start3A_191 : memref<80x128xf32, #tpu.memory_space<hbm>>) target_semaphore(%arg16 : memref<!tpu.dma_semaphore, #tpu.memory_space<semaphore_mem>>)
    }
    %scan3A_6 = arith.constant 13 : i32
    %dma_wait3A = arith.constant 50 : i32
    %dma_wait3A_7 = arith.constant 0 : i32
    %dma_wait3A_8 = tpu.memref_slice %arg6[%dma_wait3A, %dma_wait3A_7] : memref<52x80xi32, #tpu.memory_space<vmem>> -> memref<1x80xi32, #tpu.memory_space<vmem>>
    %dma_wait3A_9 = tpu.memref_squeeze %dma_wait3A_8 : memref<1x80xi32, #tpu.memory_space<vmem>> -> memref<80xi32, #tpu.memory_space<vmem>>
    %dma_wait3A_10 = arith.constant 0 : i32
    %dma_wait3A_11 = arith.constant 0 : i32
    %dma_wait3A_12 = tpu.memref_slice %arg2[%dma_wait3A_10, %dma_wait3A_11] : memref<266240x128xf32, #tpu.memory_space<hbm>> -> memref<266240x128xf32, #tpu.memory_space<hbm>>
    tpu.wait_indirect_dma semaphore(%arg13 : memref<!tpu.dma_semaphore, #tpu.memory_space<semaphore_mem>>) src(%dma_wait3A_12 : memref<266240x128xf32, #tpu.memory_space<hbm>>) dst(%arg9 : memref<80x128xf32, #tpu.memory_space<vmem>>)
    %add3A_13 = arith.constant 4000 : i32
    %add3A_14 = arith.addi %mul3A_2, %add3A_13 : i32
    %dma_start3A = arith.constant 0 : i32
    %dma_start3A_15 = tpu.memref_slice %arg4[%add3A_14, %dma_start3A] : memref<133120x128xf32, #tpu.memory_space<hbm>> -> memref<80x128xf32, #tpu.memory_space<hbm>>
    %dma_start3A_16 = arith.constant 0 : i32
    %dma_start3A_17 = tpu.memref_slice %arg4[%add3A_14, %dma_start3A_16] : memref<133120x128xf32, #tpu.memory_space<hbm>> -> memref<80x128xf32, #tpu.memory_space<hbm>>
    tpu.enqueue_dma source(%arg9 : memref<80x128xf32, #tpu.memory_space<vmem>>) target(%dma_start3A_17 : memref<80x128xf32, #tpu.memory_space<hbm>>) target_semaphore(%arg17 : memref<!tpu.dma_semaphore, #tpu.memory_space<semaphore_mem>>)
    %dma_wait3A_18 = arith.constant 51 : i32
    %dma_wait3A_19 = arith.constant 0 : i32
    %dma_wait3A_20 = tpu.memref_slice %arg6[%dma_wait3A_18, %dma_wait3A_19] : memref<52x80xi32, #tpu.memory_space<vmem>> -> memref<1x80xi32, #tpu.memory_space<vmem>>
    %dma_wait3A_21 = tpu.memref_squeeze %dma_wait3A_20 : memref<1x80xi32, #tpu.memory_space<vmem>> -> memref<80xi32, #tpu.memory_space<vmem>>
    %dma_wait3A_22 = arith.constant 0 : i32
    %dma_wait3A_23 = arith.constant 0 : i32
    %dma_wait3A_24 = tpu.memref_slice %arg2[%dma_wait3A_22, %dma_wait3A_23] : memref<266240x128xf32, #tpu.memory_space<hbm>> -> memref<266240x128xf32, #tpu.memory_space<hbm>>
    tpu.wait_indirect_dma semaphore(%arg14 : memref<!tpu.dma_semaphore, #tpu.memory_space<semaphore_mem>>) src(%dma_wait3A_24 : memref<266240x128xf32, #tpu.memory_space<hbm>>) dst(%arg10 : memref<80x128xf32, #tpu.memory_space<vmem>>)
    %add3A_25 = arith.constant 4080 : i32
    %add3A_26 = arith.addi %mul3A_2, %add3A_25 : i32
    %dma_start3A_27 = arith.constant 0 : i32
    %dma_start3A_28 = tpu.memref_slice %arg4[%add3A_26, %dma_start3A_27] : memref<133120x128xf32, #tpu.memory_space<hbm>> -> memref<80x128xf32, #tpu.memory_space<hbm>>
    %dma_start3A_29 = arith.constant 0 : i32
    %dma_start3A_30 = tpu.memref_slice %arg4[%add3A_26, %dma_start3A_29] : memref<133120x128xf32, #tpu.memory_space<hbm>> -> memref<80x128xf32, #tpu.memory_space<hbm>>
    tpu.enqueue_dma source(%arg10 : memref<80x128xf32, #tpu.memory_space<vmem>>) target(%dma_start3A_30 : memref<80x128xf32, #tpu.memory_space<hbm>>) target_semaphore(%arg18 : memref<!tpu.dma_semaphore, #tpu.memory_space<semaphore_mem>>)
    %add3A_31 = arith.constant 3840 : i32
    %add3A_32 = arith.addi %mul3A_2, %add3A_31 : i32
    %dma_wait3A_33 = arith.constant 0 : i32
    %dma_wait3A_34 = tpu.memref_slice %arg4[%add3A_32, %dma_wait3A_33] : memref<133120x128xf32, #tpu.memory_space<hbm>> -> memref<80x128xf32, #tpu.memory_space<hbm>>
    %dma_wait3A_35 = arith.constant 0 : i32
    %dma_wait3A_36 = tpu.memref_slice %arg4[%add3A_32, %dma_wait3A_35] : memref<133120x128xf32, #tpu.memory_space<hbm>> -> memref<80x128xf32, #tpu.memory_space<hbm>>
    tpu.wait_dma2 semaphore(%arg15 : memref<!tpu.dma_semaphore, #tpu.memory_space<semaphore_mem>>) src(%arg7 : memref<80x128xf32, #tpu.memory_space<vmem>>) dst(%dma_wait3A_36 : memref<80x128xf32, #tpu.memory_space<hbm>>)
    %add3A_37 = arith.constant 3920 : i32
    %add3A_38 = arith.addi %mul3A_2, %add3A_37 : i32
    %dma_wait3A_39 = arith.constant 0 : i32
    %dma_wait3A_40 = tpu.memref_slice %arg4[%add3A_38, %dma_wait3A_39] : memref<133120x128xf32, #tpu.memory_space<hbm>> -> memref<80x128xf32, #tpu.memory_space<hbm>>
    %dma_wait3A_41 = arith.constant 0 : i32
    %dma_wait3A_42 = tpu.memref_slice %arg4[%add3A_38, %dma_wait3A_41] : memref<133120x128xf32, #tpu.memory_space<hbm>> -> memref<80x128xf32, #tpu.memory_space<hbm>>
    tpu.wait_dma2 semaphore(%arg16 : memref<!tpu.dma_semaphore, #tpu.memory_space<semaphore_mem>>) src(%arg8 : memref<80x128xf32, #tpu.memory_space<vmem>>) dst(%dma_wait3A_42 : memref<80x128xf32, #tpu.memory_space<hbm>>)
    %add3A_43 = arith.constant 4000 : i32
    %add3A_44 = arith.addi %mul3A_2, %add3A_43 : i32
    %dma_wait3A_45 = arith.constant 0 : i32
    %dma_wait3A_46 = tpu.memref_slice %arg4[%add3A_44, %dma_wait3A_45] : memref<133120x128xf32, #tpu.memory_space<hbm>> -> memref<80x128xf32, #tpu.memory_space<hbm>>
    %dma_wait3A_47 = arith.constant 0 : i32
    %dma_wait3A_48 = tpu.memref_slice %arg4[%add3A_44, %dma_wait3A_47] : memref<133120x128xf32, #tpu.memory_space<hbm>> -> memref<80x128xf32, #tpu.memory_space<hbm>>
    tpu.wait_dma2 semaphore(%arg17 : memref<!tpu.dma_semaphore, #tpu.memory_space<semaphore_mem>>) src(%arg9 : memref<80x128xf32, #tpu.memory_space<vmem>>) dst(%dma_wait3A_48 : memref<80x128xf32, #tpu.memory_space<hbm>>)
    %add3A_49 = arith.constant 4080 : i32
    %add3A_50 = arith.addi %mul3A_2, %add3A_49 : i32
    %dma_wait3A_51 = arith.constant 0 : i32
    %dma_wait3A_52 = tpu.memref_slice %arg4[%add3A_50, %dma_wait3A_51] : memref<133120x128xf32, #tpu.memory_space<hbm>> -> memref<80x128xf32, #tpu.memory_space<hbm>>
    %dma_wait3A_53 = arith.constant 0 : i32
    %dma_wait3A_54 = tpu.memref_slice %arg4[%add3A_50, %dma_wait3A_53] : memref<133120x128xf32, #tpu.memory_space<hbm>> -> memref<80x128xf32, #tpu.memory_space<hbm>>
    tpu.wait_dma2 semaphore(%arg18 : memref<!tpu.dma_semaphore, #tpu.memory_space<semaphore_mem>>) src(%arg10 : memref<80x128xf32, #tpu.memory_space<vmem>>) dst(%dma_wait3A_54 : memref<80x128xf32, #tpu.memory_space<hbm>>)
    return
  }
}

</mosaic_0001>

<sc_bundles>
// kernel: kernel.3.cloned.1.call-start
scs
__scs_entry_jumppad:
0x0: {  	(pc) =	sbr.rel $0x88, $3  }
0x1: {  	(tag) =	ssettag $0x0;
	lr =	simm.s32 $0x1  }
0x2: {  	[smem:$0x3F9E] =	sst lr;
	_ =	strace $0xD0000000  }
0x3: {  	_ = 	snop  }
0x4: {  	_ = 	snop  }
0x5: {  	_ = 	snop  }
0x6: {  	_ = 	snop  }
0x7: {  	_ = 	snop  }
__scs_overlays_trampoline_lowered:
0x8: {  	[smem:$0x3FAD] =	sst s0  }
0x9: {  	[smem:$0x3FAE] =	sst s1  }
0xa: {  	[smem:$0x3FAF] =	sst s2  }
0xb: {  	[smem:$0x3FB0] =	sst s3  }
0xc: {  	[smem:$0x3FB1] =	sst s4  }
0xd: {  	[smem:$0x3FB2] =	sst s5  }
0xe: {  	[smem:$0x3FB3] =	sst s6  }
0xf: {  	[smem:$0x3FB4] =	sst s7  }
0x10: {  	[smem:$0x3FB5] =	sst s8  }
0x11: {  	[smem:$0x3FB6] =	sst s9;
	s0 =	simm.s32 @!p0 $0x0  }
0x12: {  	s1 =	sld [smem:$0x3F9C];
	s0 =	simm.s32 @p0 $0x1  }
0x13: {  	[smem:$0x3FB7] =	sst s0;
	s0 =	simm.s32 @!p1 $0x0  }
0x14: {  	s2 =	sld [smem:$0x3F9B];
	s0 =	simm.s32 @p1 $0x1  }
0x15: {  	[smem:$0x3FB8] =	sst s0;
	s0 =	simm.s32 @!p2 $0x0  }
0x16: {  	s3 =	sld [smem:$0x3FDB];
	s0 =	simm.s32 @p2 $0x1  }
0x17: {  	s4 =	simm.s32 $0x1BF5;
	[smem:$0x3FBA] =	sst s0  }
0x18: {  	s0 =	sld [smem:$0x3F9D];
	_ =	swait.ge [sflag:s4], $0x0  }
0x19: {  	s7 =	sld [smem:$0x3F9E]  }
0x1a: {  	s8 =	sadd.s32 $0xFFFFE003, lr  }
0x1b: {  	s9 =	sadd.s32 $0xFFFFFEF7, lr;
	s5 =	simm.s32 $0xFFFFFFFF;
	p2 =	slt.u32 s8, $0xFFFFF086  }
0x1c: {  	p1 =	slt.u32 s9, $0xF7A;
	s5 =	simm.s32 @!p2 $0x0  }
0x1d: {  	s5 =	simm.s32 @p1 $0x1;
	p0 =	seq.s32 s7, s2  }
0x1e: {  	s7 =	smul.u32 @!p0 $0xF7A, s2;
	p2 =	seq.s32 @!p0 s5, $0x0  }
0x1f: {  	s9 =	smul.u32 $0xF7A, s1;
	s8 =	simm.s32 @!p0 $0x1BF5;
	p2 =	por !p2, p0  }
0x20: {  	[sflag:s8] =	ssyncset.s32 @!p0 $0xFFFFF086;
	s6 =	sadd.s32 @!p0 s3, s7;
	s7 =	simm.s32 @!p0 $0x108  }
0x21: {  	s3 =	sadd.s32 s3, s9;
	s6 =	sadd.s32 @!p0 $0x88, s6;
	s7 =	simm.s32 @p2 $0x1082  }
0x22: {  	[simem:s7], [sflag:s8] =	dma.local @!p0 [hbm:s6], $0xF7A  }
0x23: {  	s9 =	sor.u32 $0xD0000000, s2;
	s6 =	simm.s32 $0x108;
	_ =	swait.ge @!p0 [sflag:s8], $0x0  }
0x24: {  	s3 =	sadd.s32 $0x88, s3;
	s6 =	simm.s32 @!p1 $0x1082;
	[sflag:s4] =	ssyncset.s32 $0xFFFFF086  }
0x25: {  	[simem:s6], [sflag:s4] =	dma.local [hbm:s3], $0xF7A  }
0x26: {  	[smem:$0x3F9E] =	sst s1;
	(tag) =	ssettag s2;
	_ =	strace s9  }
0x27: {  	s1 =	sld [smem:$0x3FAE]  }
0x28: {  	s2 =	sld [smem:$0x3FAF]  }
0x29: {  	s4 =	sld [smem:$0x3FB1]  }
0x2a: {  	p0 =	seq.s32 s5, $0x0;
	s5 =	sld [smem:$0x3FB2]  }
0x2b: {  	s6 =	sld [smem:$0x3FB3]  }
0x2c: {  	s7 =	sld [smem:$0x3FB4]  }
0x2d: {  	s3 =	simm.s32 $0x108;
	s8 =	sld [smem:$0x3FB5]  }
0x2e: {  	s3 =	simm.s32 @!p0 $0x1082;
	s9 =	sld [smem:$0x3FB6]  }
0x2f: {  	lr =	sadd.s32 s0, s3;
	s0 =	sld [smem:$0x3FAD]  }
0x30: {  	s3 =	sld [smem:$0x3FB0]  }
0x31: {  	[smem:$0x3FB9] =	sst s10  }
0x32: {  	s10 =	sld [smem:$0x3FB7];
	_ =	sdelay $0x3  }
0x33: {  	p0 =	seq.s32 s10, $0x1;
	s10 =	sld [smem:$0x3FB9];
	_ =	sdelay $0x3  }
0x34: {  	[smem:$0x3FB9] =	sst s10  }
0x35: {  	s10 =	sld [smem:$0x3FB8];
	_ =	sdelay $0x3  }
0x36: {  	p1 =	seq.s32 s10, $0x1;
	s10 =	sld [smem:$0x3FB9];
	_ =	sdelay $0x3  }
0x37: {  	[smem:$0x3FB9] =	sst s10  }
0x38: {  	s10 =	sld [smem:$0x3FBA]  }
0x39: {  	_ = 	snop;
	(pc) =	sbr.ind lr, $3  }
0x3a: {  	_ = 	snop  }
0x3b: {  	_ = 	snop  }
0x3c: {  	p2 =	seq.s32 s10, $0x1;
	s10 =	sld [smem:$0x3FB9]  }
0x3d: {  	_ =	shalt  }
0x3e: {  	_ =	shalt  }
0x3f: {  	_ =	shalt  }
0x40: {  	_ =	shalt  }
0x41: {  	_ =	shalt  }
0x42: {  	_ =	shalt  }
0x43: {  	_ =	shalt  }
0x44: {  	_ =	shalt  }
0x45: {  	_ =	shalt  }
0x46: {  	_ =	shalt  }
0x47: {  	_ =	shalt  }
0x48: {  	_ =	shalt  }
0x49: {  	_ =	shalt  }
0x4a: {  	_ =	shalt  }
0x4b: {  	_ =	shalt  }
0x4c: {  	_ =	shalt  }
0x4d: {  	_ =	shalt  }
0x4e: {  	_ =	shalt  }
0x4f: {  	_ =	shalt  }
0x50: {  	_ =	shalt  }
0x51: {  	_ =	shalt  }
0x52: {  	_ =	shalt  }
0x53: {  	_ =	shalt  }
0x54: {  	_ =	shalt  }
0x55: {  	_ =	shalt  }
0x56: {  	_ =	shalt  }
0x57: {  	_ =	shalt  }
0x58: {  	_ =	shalt  }
0x59: {  	_ =	shalt  }
0x5a: {  	_ =	shalt  }
0x5b: {  	_ =	shalt  }
0x5c: {  	_ =	shalt  }
0x5d: {  	_ =	shalt  }
0x5e: {  	_ =	shalt  }
0x5f: {  	_ =	shalt  }
0x60: {  	_ =	shalt  }
0x61: {  	_ =	shalt  }
0x62: {  	_ =	shalt  }
0x63: {  	_ =	shalt  }
0x64: {  	_ =	shalt  }
0x65: {  	_ =	shalt  }
0x66: {  	_ =	shalt  }
0x67: {  	_ =	shalt  }
0x68: {  	_ =	shalt  }
0x69: {  	_ =	shalt  }
0x6a: {  	_ =	shalt  }
0x6b: {  	_ =	shalt  }
0x6c: {  	_ =	shalt  }
0x6d: {  	_ =	shalt  }
0x6e: {  	_ =	shalt  }
0x6f: {  	_ =	shalt  }
0x70: {  	_ =	shalt  }
0x71: {  	_ =	shalt  }
0x72: {  	_ =	shalt  }
0x73: {  	_ =	shalt  }
0x74: {  	_ =	shalt  }
0x75: {  	_ =	shalt  }
0x76: {  	_ =	shalt  }
0x77: {  	_ =	shalt  }
0x78: {  	_ =	shalt  }
0x79: {  	_ =	shalt  }
0x7a: {  	_ =	shalt  }
0x7b: {  	_ =	shalt  }
0x7c: {  	_ =	shalt  }
0x7d: {  	_ =	shalt  }
0x7e: {  	_ =	shalt  }
0x7f: {  	_ =	shalt  }
0x80: {  	_ =	shalt  }
0x81: {  	_ =	shalt  }
0x82: {  	_ =	shalt  }
0x83: {  	_ =	shalt  }
0x84: {  	_ =	shalt  }
0x85: {  	_ =	shalt  }
0x86: {  	_ =	shalt  }
0x87: {  	_ =	shalt  }
.Lfunc_end0:
.L_simem_size_0:
called_computation_lowered:
.L_overlay_start_0:
0x88: {  	s2 =	sld [smem:$0x3FD9]  }
0x89: {  	s3 =	sld [smem:$0x3FFE];
	_ =	sdelay $0x1  }
0x8a: {  	s1 =	srdreg.scid  }
0x8b: {  	s0 =	sand.u32 $0x1, s1  }
0x8c: {  	s17 =	sshll.u32 s0, $0xA;
	s2 =	sadd.s32 s3, s2  }
0x8d: {  	s2 =	sadd.s32 s2, s17  }
0x8e: {  	[smem:$0x3FC5] =	sst s2  }
0x8f: {  	_ = 	snop  }
0x90: {  	s2 =	sld [smem:$0x3FC9]  }
0x91: {  	s18 =	sld [smem:$0x3FD0];
	(tm) =	ssettm $0x1  }
0x92: {  	s4 =	sld [smem:$0x3FFB];
	_ =	sdelay $0x3  }
0x93: {  	_ =	strace s4  }
0x94: {  	s4 =	sld [smem:$0x3FFC];
	_ =	sdelay $0x3  }
0x95: {  	_ =	strace s4  }
0x96: {  	s4 =	sld [smem:$0x3FFD];
	_ =	sdelay $0x3  }
0x97: {  	_ =	strace s4  }
0x98: {  	_ =	strace $0x8FFFFFFF  }
0x99: {  	s19 =	sld [smem:$0x3FDB];
	_ =	sdelay $0x1  }
0x9a: {  	s5 =	simm.s32 $_scs_section_size  }
0x9b: {  	s6 =	simm.s32 $_size__tile_overlayer_lowered;
	s7 =	simm.s32 $_tile_overlayer_lowered  }
0x9c: {  	s22 =	simm.s32 $0x1BFF;
	s21 =	sshll.u32 s7, $0x1;
	s4 =	sadd.s32 s5, s19  }
0x9d: {  	s8 =	simm.s32 $0x0;
	s20 =	sshll.u32 s6, $0x1;
	s6 =	sadd.s32 s21, s4  }
0x9e: {  	[timem:s8], [sflag:s22] =	dma.local [hbm:s6], s20  }
0x9f: {  	_ =	swait.ge [sflag:s22], s20  }
0xa0: {  	s5 =	ssub.s32 $0x0, s20;
	[sflag:s22] =	ssyncset.done $0x0  }
0xa1: {  	[sflag:s22] =	ssyncadd.s32 s5;
	_ =	sdelay $0x1  }
0xa2: {  	s23 =	simm.s32 $0x1B8B  }
0xa3: {  	_ =	swait.ge [sflag:s23], $0x1  }
0xa4: {  	[sflag:s23] =	ssyncset.done $0x0  }
0xa5: {  	s25 =	simm.s32 $0x1B8E;
	s24 =	sld [smem:$0x3FFE];
	[sflag:s23] =	ssyncadd.s32 $0xFFFFFFFF  }
0xa6: {  	s26 =	simm.s32 $execute0_lowered;
	[smem:$0x3FD2] =	sst s25  }
0xa7: {  	s6 =	sshll.u32 s26, $0x1;
	_ =	strace $0x80000046;
	[dreg:$0x1] =	wrdreg $0xFFFFFFFF  }
0xa8: {  	s28 =	simm.s32 $_size_execute0_lowered;
	s4 =	sadd.s32 s4, s6;
	[dreg:$0x0] =	wrdreg $0x0  }
0xa9: {  	s6 =	sshll.u32 s28, $0x1;
	[dreg:$0x2] =	wrdreg s4  }
0xaa: {  	[dreg:$0x3] =	wrdreg s6  }
0xab: {  	[dreg:$0x4] =	wrdreg $0xC0  }
0xac: {  	_ =	task [dreg:s8], $0x5FFFF  }
0xad: {  	[dreg:$0x1] =	wrdreg $0xFFFFFFFF  }
0xae: {  	[dreg:$0x0] =	wrdreg $0x60  }
0xaf: {  	[dreg:$0x2] =	wrdreg s2  }
0xb0: {  	[dreg:$0x3] =	wrdreg s24  }
0xb1: {  	[dreg:$0x4] =	wrdreg s18  }
0xb2: {  	[dreg:$0x5] =	wrdreg $0x9  }
0xb3: {  	_ =	task.clear_ibuf [dreg:s8], $0x6FFFF;
	_ =	strace $0x90000046  }
0xb4: {  	s29 =	simm.s32 $0x9;
	_ =	strace $0x80000048  }
0xb5: {  	_ =	swait.ge [sflag:s29], $0x1  }
0xb6: {  	[sflag:s29] =	ssyncadd.s32 $0xFFFFFFFF  }
0xb7: {  	_ =	strace $0x90000048  }
0xb8: {  	_ =	sfence  }
0xb9: {  	s30 =	sld [smem:$0x0];
	_ =	sdelay $0x2  }
0xba: {  	s31 =	sshll.u32 s1, $0xD;
	s1 =	sshrl.u32 s1, $0x2  }
0xbb: {  	s3 =	sand.u32 $0x4000, s31;
	s1 =	sadd.s32 s1, s30  }
0xbc: {  	s0 =	sor.u32 s3, s0;
	s1 =	sshll.u32 s1, $0x11  }
0xbd: {  	s0 =	sor.u32 s1, s0  }
0xbe: {  	s0 =	sadd.s32 $0x8F2B, s0  }
0xbf: {  	[sflag:s0] =	ssyncadd.remote.s32 $0x1  }
0xc0: {  	_ =	sfence.sel $0xFFFF  }
0xc1: {  	[dreg:$0x0] =	wrdreg $0xFFFFFFFF;
	(pc) =	sbr.abs _section_cstart, $3  }
0xc2: {  	[dreg:$0x1] =	wrdreg $0xFFFFFFFF  }
0xc3: {  	_ =	task.clear_ibuf [dreg:s8], $0x2FFFF;
	_ =	strace $0x9FFFFFFF  }
0xc4: {  	(tm) =	ssettm $0x7FFFFFFF  }
0xc5: {  	_ =	shalt  }
tec
execute0_lowered:
.L_overlay_start_1:
0x0: {  	(tag) =	ssettag $0x1  }
0x1: {  	s1 =	rddreg [dreg:$0x0]  }
0x2: {  	s0 =	rddreg [dreg:$0x1]  }
0x3: {  	s2 =	srdreg.scid;
	s9 =	stileid.u32  }
0x4: {  	s4 =	rddreg [dreg:$0x2];
	s3 =	simm.s32 $0x0;
	s10 =	simm.s32 $0x50  }
0x5: {  	s11 =	simm.s32 $0x6C80;
	s12 =	simm.s32 $0x1;
	s30 =	simm.s32 $0x1C80  }
0x6: {  	s13 =	simm.s32 $0x9480;
	s31 =	simm.s32 $0x4480;
	s14 =	simm.s32 $0x2  }
0x7: {  	s19 =	simm.s32 $0x7;
	s2 =	sand.u32 $0x1, s2;
	s5 =	sshll.u32 s9, $0x1  }
0x8: {  	[smem:$0x7FF] =	sst s3;
	s0 =	sadd.s32 $0x400, s0;
	s26 =	smul.u32 $0x2080, s9  }
0x9: {  	s5 =	sor.u32 s2, s5;
	_ =	strace $0x80000047;
	s8 =	smul.u32 $0x10400, s2  }
0xa: {  	s6 =	ssub.s32 $0x2, s2;
	[dreg:$0x7] =	wrdreg s0;
	s2 =	smul.u32 $0x1040, s2  }
0xb: {  	s20 =	simm.s32 $0x8;
	[dreg:$0x5] =	wrdreg s30;
	s5 =	smul.u32 $0x82000, s5  }
0xc: {  	s7 =	smul.u32 $0x20800, s9;
	[dreg:$0x6] =	wrdreg s31;
	s25 =	sshrl.u32 s6, $0x1  }
0xd: {  	v1 =	vlaneseq.u32;
	s0 =	ssub.s32 s6, s25;
	s29 =	sadd.s32 s2, s26;
	s5 =	sshrl.u32 s5, $0x3  }
0xe: {  	v0 =	vshrl.u32 v1, $0x3;
	s0 =	smax.u32 s0, $0x1;
	[dreg:$0x4] =	wrdreg s29;
	s5 =	sadd.s32 s4, s5  }
0xf: {  	v0 =	vmul.u32 $0x8, v0;
	s4 =	sadd.s32 s7, s4;
	[dreg:$0xa] =	wrdreg s0;
	s28 =	sadd.s32 $0xFA00, s5  }
0x10: {  	v1 =	vand.u32 $0x7, v1;
	s5 =	sadd.s32 $0xFF00, s5;
	s4 =	sadd.s32 s8, s4;
	[dreg:$0x8] =	wrdreg s28  }
0x11: {  	s21 =	simm.s32 $0x0;
	v2 =	vor.u32 $0x10, v0;
	v3 =	vor.u32 $0x20, v0;
	v4 =	vor.u32 $0x30, v0;
	[dreg:$0x9] =	wrdreg s5;
	s8 =	sadd.s32 $0xFFFFF600, s4  }
.LBB2_1:
0x12: {  	s0 =	rddreg [dreg:$0x7];
	s2 =	simm.s32 $0x9  }
0x13: {  	[tilespmem:s3], [sflag:$0x9] =	stream.linear.gather [hbm4b:s0+s3], $0x80, $0x38;
	[tilespmem:$0xBC80] =	vst v63  }
0x14: {  	_ =	swait.ge [sflag:s2], $0x80  }
0x15: {  	s23 =	rddreg [dreg:$0x4]  }
0x16: {  	s23 =	sadd.s32 $0x0, s23  }
0x17: {  	v5 =	vmov s23  }
0x18: {  	v6 =	vshrl.u32 v5, $0x3  }
0x19: {  	v6 =	vand.u32 $0x18, v6  }
0x1a: {  	v6 =	vor.u32 v1, v6;
	_ =	sdelay $0x2  }
0x1b: {  	[sflag:s2] =	ssyncset.done $0x0  }
0x1c: {  	[sflag:s2] =	ssyncadd.s32 $0xFFFFFF80  }
0x1d: {  	v6 =	vld.idx.msk [tilespmem:v6+s3+$0x0], $0xffff;
	_ =	sdelay $0x1  }
0x1e: {  	s0 =	sadd.s32 $0x10, s23  }
0x1f: {  	v7 =	vmov s0  }
0x20: {  	v8 =	vshrl.u32 v7, $0x3  }
0x21: {  	v5 =	vshll.u32 v5, $0x1;
	v8 =	vand.u32 $0x18, v8;
	v9 =	vshll.u32 v6, $0x3  }
0x22: {  	v5 =	vand.u32 $0xFFFFFE00, v5;
	v8 =	vor.u32 v1, v8;
	v9 =	vand.u32 $0xFFFFFFC0, v9  }
0x23: {  	v6 =	vand.u32 $0x7, v6;
	v5 =	vadd.s32 v5, v9  }
0x24: {  	v5 =	vor.u32 v6, v5  }
0x25: {  	s22 =	simm.s32 $0x80;
	v5 =	vor.u32 v0, v5  }
0x26: {  	[tilespmem:s22+$0x0] =	vst v5  }
0x27: {  	v5 =	vld.idx.msk [tilespmem:v8+s3+$0x0], $0xffff;
	_ =	sdelay $0x1  }
0x28: {  	s24 =	sadd.s32 $0x20, s23  }
0x29: {  	v6 =	vmov s24  }
0x2a: {  	v21 =	vshrl.u32 v6, $0x3  }
0x2b: {  	v7 =	vshll.u32 v7, $0x1;
	v8 =	vand.u32 $0x18, v21;
	v22 =	vshll.u32 v5, $0x3  }
0x2c: {  	v7 =	vand.u32 $0xFFFFFE00, v7;
	v8 =	vor.u32 v1, v8;
	v9 =	vand.u32 $0xFFFFFFC0, v22  }
0x2d: {  	v5 =	vand.u32 $0x7, v5;
	v7 =	vadd.s32 v7, v9  }
0x2e: {  	v5 =	vor.u32 v5, v7  }
0x2f: {  	v5 =	vor.u32 v2, v5  }
0x30: {  	[tilespmem:s22+$0x10] =	vst v5  }
0x31: {  	v5 =	vld.idx.msk [tilespmem:v8+s3+$0x0], $0xffff;
	_ =	sdelay $0x1  }
0x32: {  	s25 =	sadd.s32 $0x30, s23  }
0x33: {  	v7 =	vmov s25  }
0x34: {  	v23 =	vshrl.u32 v7, $0x3  }
0x35: {  	v6 =	vshll.u32 v6, $0x1;
	v8 =	vand.u32 $0x18, v23;
	v24 =	vshll.u32 v5, $0x3  }
0x36: {  	v6 =	vand.u32 $0xFFFFFE00, v6;
	v8 =	vor.u32 v1, v8;
	v9 =	vand.u32 $0xFFFFFFC0, v24  }
0x37: {  	v5 =	vand.u32 $0x7, v5;
	v6 =	vadd.s32 v6, v9  }
0x38: {  	v5 =	vor.u32 v5, v6  }
0x39: {  	v5 =	vor.u32 v3, v5  }
0x3a: {  	[tilespmem:s22+$0x20] =	vst v5  }
0x3b: {  	v5 =	vld.idx.msk [tilespmem:v8+s3+$0x0], $0xffff;
	_ =	sdelay $0x1  }
0x3c: {  	s26 =	sadd.s32 $0x40, s23  }
0x3d: {  	v6 =	vmov s26  }
0x3e: {  	v25 =	vshrl.u32 v6, $0x3  }
0x3f: {  	v7 =	vshll.u32 v7, $0x1;
	v8 =	vand.u32 $0x18, v25;
	v26 =	vshll.u32 v5, $0x3  }
0x40: {  	v7 =	vand.u32 $0xFFFFFE00, v7;
	v8 =	vor.u32 v1, v8;
	v9 =	vand.u32 $0xFFFFFFC0, v26  }
0x41: {  	v5 =	vand.u32 $0x7, v5;
	v7 =	vadd.s32 v7, v9  }
0x42: {  	v5 =	vor.u32 v5, v7  }
0x43: {  	v5 =	vor.u32 v4, v5  }
0x44: {  	[tilespmem:s22+$0x30] =	vst v5  }
0x45: {  	v5 =	vld.idx.msk [tilespmem:v8+s3+$0x0], $0xffff;
	_ =	sdelay $0x4  }
0x46: {  	v6 =	vshll.u32 v6, $0x1;
	v7 =	vshll.u32 v5, $0x3  }
0x47: {  	v6 =	vand.u32 $0xFFFFFE00, v6;
	v7 =	vand.u32 $0xFFFFFFC0, v7  }
0x48: {  	v5 =	vand.u32 $0x7, v5;
	v6 =	vadd.s32 v6, v7  }
0x49: {  	p0 =	por $0x1, $0x1;
	v5 =	vor.u32 v5, v6  }
0x4a: {  	s4 =	simm.s32 @!p0 $0x5;
	s2 =	simm.s32 @p0 $0x1C80;
	v5 =	vor.u32 v0, v5  }
0x4b: {  	s28 =	sadd.s32 $0x50, s23;
	s0 =	simm.s32 @p0 $0x80;
	s24 =	simm.s32 @p0 $0x50;
	[tilespmem:s22+$0x40] =	vst v5  }
0x4c: {  	[tilespmem:s2], [sflag:$0x1] =	stream.indirect.gather @p0 [hbm4b:s1+s24], $0x80, s0, s24, $0xb8;
	[tilespmem:$0xBC80] =	vst v63  }
0x4d: {  	v5 =	vmov s28;
	_ =	swait.ge @!p0 [sflag:s4], $0x2800  }
0x4e: {  	s5 =	simm.s32 @!p0 $0x1C80;
	v6 =	vshrl.u32 v5, $0x3;
	[sflag:s4] =	ssyncset.done @!p0 $0x0  }
0x4f: {  	s2 =	simm.s32 @!p0 $0x50;
	v6 =	vand.u32 $0x18, v6;
	[sflag:s4] =	ssyncadd.s32 @!p0 $0xFFFFD800;
	s4 =	simm.s32 @!p0 $0x3  }
0x50: {  	v6 =	vor.u32 v1, v6;
	[tilespmem:s5], [sflag:$0x1] =	stream.indirect.gather @!p0 [hbm4b:s1+s2], $0x80, s22, s2, $0xb8;
	[tilespmem:$0xBC80] =	vst v63  }
0x51: {  	_ =	swait.ge @!p0 [sflag:s4], $0x2800  }
0x52: {  	[sflag:s4] =	ssyncset.done @!p0 $0x0  }
0x53: {  	s25 =	simm.s32 @!p0 $0x0;
	[sflag:s4] =	ssyncadd.s32 @!p0 $0xFFFFD800;
	s4 =	simm.s32 @!p0 $0x6C80  }
0x54: {  	[hbm4b:s8+s25] =	stream.linear.scatter @!p0 [tilespmem:s4], [sflag:$0x7], $0x2800, $0x38;
	[tilespmem:$0xBC80] =	vst v63  }
0x55: {  	v6 =	vld.idx.msk [tilespmem:v6+s3+$0x0], $0xffff;
	_ =	sdelay $0x1  }
0x56: {  	s29 =	sadd.s32 $0x60, s23  }
0x57: {  	v7 =	vmov s29  }
0x58: {  	v28 =	vor.u32 s28, v0;
	v27 =	vshrl.u32 v7, $0x3  }
0x59: {  	v8 =	vand.u32 $0x18, v27;
	v5 =	vshll.u32 v5, $0x1;
	v10 =	vshll.u32 v6, $0x3  }
0x5a: {  	v8 =	vor.u32 v1, v8;
	v5 =	vand.u32 $0xFFFFFE00, v5;
	v10 =	vand.u32 $0xFFFFFFC0, v10  }
0x5b: {  	v9 =	vand.u32 $0x38, v28;
	v5 =	vadd.s32 v5, v10  }
0x5c: {  	v6 =	vand.u32 $0x7, v6;
	v5 =	vor.u32 v9, v5  }
0x5d: {  	v5 =	vor.u32 v6, v5  }
0x5e: {  	[tilespmem:s22+$0x80] =	vst v5  }
0x5f: {  	v5 =	vld.idx.msk [tilespmem:v8+s3+$0x0], $0xffff;
	_ =	sdelay $0x1  }
0x60: {  	s30 =	sadd.s32 $0x70, s23  }
0x61: {  	v6 =	vmov s30  }
0x62: {  	v29 =	vor.u32 s29, v0;
	v30 =	vshrl.u32 v6, $0x3  }
0x63: {  	v7 =	vshll.u32 v7, $0x1;
	v9 =	vand.u32 $0x18, v30;
	v31 =	vshll.u32 v5, $0x3  }
0x64: {  	v7 =	vand.u32 $0xFFFFFE00, v7;
	v9 =	vor.u32 v1, v9;
	v10 =	vand.u32 $0xFFFFFFC0, v31  }
0x65: {  	v8 =	vand.u32 $0x38, v29;
	v7 =	vadd.s32 v7, v10  }
0x66: {  	v5 =	vand.u32 $0x7, v5;
	v7 =	vor.u32 v8, v7  }
0x67: {  	v5 =	vor.u32 v5, v7  }
0x68: {  	[tilespmem:s22+$0x90] =	vst v5  }
0x69: {  	v5 =	vld.idx.msk [tilespmem:v9+s3+$0x0], $0xffff;
	_ =	sdelay $0x1  }
0x6a: {  	s31 =	sadd.s32 $0x80, s23  }
0x6b: {  	v7 =	vmov s31  }
0x6c: {  	v33 =	vor.u32 s30, v0;
	v32 =	vshrl.u32 v7, $0x3  }
0x6d: {  	v6 =	vshll.u32 v6, $0x1;
	v8 =	vand.u32 $0x18, v32;
	v34 =	vshll.u32 v5, $0x3  }
0x6e: {  	v6 =	vand.u32 $0xFFFFFE00, v6;
	v8 =	vor.u32 v1, v8;
	v10 =	vand.u32 $0xFFFFFFC0, v34  }
0x6f: {  	v9 =	vand.u32 $0x38, v33;
	v6 =	vadd.s32 v6, v10  }
0x70: {  	v5 =	vand.u32 $0x7, v5;
	v6 =	vor.u32 v9, v6  }
0x71: {  	v5 =	vor.u32 v5, v6  }
0x72: {  	[tilespmem:s22+$0xA0] =	vst v5  }
0x73: {  	v5 =	vld.idx.msk [tilespmem:v8+s3+$0x0], $0xffff;
	_ =	sdelay $0x1  }
0x74: {  	s5 =	sadd.s32 $0x90, s23  }
0x75: {  	v6 =	vmov s5  }
0x76: {  	v35 =	vor.u32 s31, v0;
	v36 =	vshrl.u32 v6, $0x3  }
0x77: {  	v7 =	vshll.u32 v7, $0x1;
	v9 =	vand.u32 $0x18, v36;
	v37 =	vshll.u32 v5, $0x3  }
0x78: {  	v7 =	vand.u32 $0xFFFFFE00, v7;
	v9 =	vor.u32 v1, v9;
	v10 =	vand.u32 $0xFFFFFFC0, v37  }
0x79: {  	v8 =	vand.u32 $0x38, v35;
	v7 =	vadd.s32 v7, v10  }
0x7a: {  	v5 =	vand.u32 $0x7, v5;
	v7 =	vor.u32 v8, v7  }
0x7b: {  	v5 =	vor.u32 v5, v7  }
0x7c: {  	[tilespmem:s22+$0xB0] =	vst v5  }
0x7d: {  	v5 =	vld.idx.msk [tilespmem:v9+s3+$0x0], $0xffff;
	_ =	sdelay $0x4  }
0x7e: {  	v6 =	vshll.u32 v6, $0x1;
	v7 =	vshll.u32 v5, $0x3  }
0x7f: {  	v38 =	vor.u32 s5, v0;
	v6 =	vand.u32 $0xFFFFFE00, v6;
	v7 =	vand.u32 $0xFFFFFFC0, v7  }
0x80: {  	v8 =	vand.u32 $0x38, v38;
	v6 =	vadd.s32 v6, v7  }
0x81: {  	v5 =	vand.u32 $0x7, v5;
	v6 =	vor.u32 v8, v6  }
0x82: {  	v5 =	vor.u32 v5, v6  }
0x83: {  	s0 =	simm.s32 @p0 $0x100;
	s4 =	simm.s32 @p0 $0x4480;
	[tilespmem:s22+$0xC0] =	vst v5  }
0x84: {  	[tilespmem:s4], [sflag:$0x2] =	stream.indirect.gather @p0 [hbm4b:s1+s24], $0x80, s0, s24, $0xb8;
	[tilespmem:$0xBC80] =	vst v63  }
0x85: {  	s0 =	simm.s32 @!p0 $0x6  }
0x86: {  	s6 =	sadd.s32 $0xA0, s23;
	_ =	swait.ge @!p0 [sflag:s0], $0x2800  }
0x87: {  	v5 =	vmov s6;
	[sflag:s0] =	ssyncset.done @!p0 $0x0  }
0x88: {  	s5 =	simm.s32 $0x100;
	v6 =	vshrl.u32 v5, $0x3;
	[sflag:s0] =	ssyncadd.s32 @!p0 $0xFFFFD800;
	s0 =	simm.s32 @!p0 $0x4480  }
0x89: {  	v6 =	vand.u32 $0x18, v6;
	[tilespmem:s0], [sflag:$0x2] =	stream.indirect.gather @!p0 [hbm4b:s1+s2], $0x80, s5, s2, $0xb8;
	[tilespmem:$0xBC80] =	vst v63  }
0x8a: {  	v6 =	vor.u32 v1, v6;
	s0 =	simm.s32 @!p0 $0x4  }
0x8b: {  	_ =	swait.ge @!p0 [sflag:s0], $0x2800  }
0x8c: {  	[sflag:s0] =	ssyncset.done @!p0 $0x0  }
0x8d: {  	s2 =	sadd.s32 @!p0 $0x500, s8;
	s5 =	simm.s32 @!p0 $0x9480;
	[sflag:s0] =	ssyncadd.s32 @!p0 $0xFFFFD800  }
0x8e: {  	[hbm4b:s2+s25] =	stream.linear.scatter @!p0 [tilespmem:s5], [sflag:$0x8], $0x2800, $0x38;
	[tilespmem:$0xBC80] =	vst v63  }
0x8f: {  	v6 =	vld.idx.msk [tilespmem:v6+s3+$0x0], $0xffff;
	_ =	sdelay $0x1  }
0x90: {  	s7 =	sadd.s32 $0xB0, s23  }
0x91: {  	v7 =	vmov s7  }
0x92: {  	v40 =	vor.u32 s6, v0;
	v39 =	vshrl.u32 v7, $0x3  }
0x93: {  	v8 =	vand.u32 $0x18, v39;
	v5 =	vshll.u32 v5, $0x1;
	v41 =	vshll.u32 v6, $0x3  }
0x94: {  	v8 =	vor.u32 v1, v8;
	v5 =	vand.u32 $0xFFFFFE00, v5;
	v10 =	vand.u32 $0xFFFFFFC0, v41  }
0x95: {  	v9 =	vand.u32 $0x38, v40;
	v5 =	vadd.s32 v5, v10  }
0x96: {  	v6 =	vand.u32 $0x7, v6;
	v5 =	vor.u32 v9, v5  }
0x97: {  	v5 =	vor.u32 v6, v5  }
0x98: {  	[tilespmem:s22+$0x100] =	vst v5  }
0x99: {  	v5 =	vld.idx.msk [tilespmem:v8+s3+$0x0], $0xffff;
	_ =	sdelay $0x1  }
0x9a: {  	s9 =	sadd.s32 $0xC0, s23  }
0x9b: {  	v6 =	vmov s9  }
0x9c: {  	v43 =	vor.u32 s7, v0;
	v42 =	vshrl.u32 v6, $0x3  }
0x9d: {  	v7 =	vshll.u32 v7, $0x1;
	v8 =	vand.u32 $0x18, v42;
	v44 =	vshll.u32 v5, $0x3  }
0x9e: {  	v7 =	vand.u32 $0xFFFFFE00, v7;
	v8 =	vor.u32 v1, v8;
	v10 =	vand.u32 $0xFFFFFFC0, v44  }
0x9f: {  	v9 =	vand.u32 $0x38, v43;
	v7 =	vadd.s32 v7, v10  }
0xa0: {  	v5 =	vand.u32 $0x7, v5;
	v7 =	vor.u32 v9, v7  }
0xa1: {  	v5 =	vor.u32 v5, v7  }
0xa2: {  	[tilespmem:s22+$0x110] =	vst v5  }
0xa3: {  	v5 =	vld.idx.msk [tilespmem:v8+s3+$0x0], $0xffff;
	_ =	sdelay $0x1  }
0xa4: {  	s15 =	sadd.s32 $0xD0, s23  }
0xa5: {  	v7 =	vmov s15  }
0xa6: {  	v46 =	vor.u32 s9, v0;
	v45 =	vshrl.u32 v7, $0x3  }
0xa7: {  	v6 =	vshll.u32 v6, $0x1;
	v8 =	vand.u32 $0x18, v45;
	v47 =	vshll.u32 v5, $0x3  }
0xa8: {  	v6 =	vand.u32 $0xFFFFFE00, v6;
	v8 =	vor.u32 v1, v8;
	v10 =	vand.u32 $0xFFFFFFC0, v47  }
0xa9: {  	v9 =	vand.u32 $0x38, v46;
	v6 =	vadd.s32 v6, v10  }
0xaa: {  	v5 =	vand.u32 $0x7, v5;
	v6 =	vor.u32 v9, v6  }
0xab: {  	v5 =	vor.u32 v5, v6  }
0xac: {  	[tilespmem:s22+$0x120] =	vst v5  }
0xad: {  	v5 =	vld.idx.msk [tilespmem:v8+s3+$0x0], $0xffff;
	_ =	sdelay $0x1  }
0xae: {  	s16 =	sadd.s32 $0xE0, s23  }
0xaf: {  	v6 =	vmov s16  }
0xb0: {  	v48 =	vor.u32 s15, v0;
	v49 =	vshrl.u32 v6, $0x3  }
0xb1: {  	v7 =	vshll.u32 v7, $0x1;
	v9 =	vand.u32 $0x18, v49;
	v50 =	vshll.u32 v5, $0x3  }
0xb2: {  	v7 =	vand.u32 $0xFFFFFE00, v7;
	v9 =	vor.u32 v1, v9;
	v10 =	vand.u32 $0xFFFFFFC0, v50  }
0xb3: {  	v8 =	vand.u32 $0x38, v48;
	v7 =	vadd.s32 v7, v10  }
0xb4: {  	v5 =	vand.u32 $0x7, v5;
	v7 =	vor.u32 v8, v7  }
0xb5: {  	v5 =	vor.u32 v5, v7  }
0xb6: {  	[tilespmem:s22+$0x130] =	vst v5  }
0xb7: {  	v5 =	vld.idx.msk [tilespmem:v9+s3+$0x0], $0xffff;
	_ =	sdelay $0x4  }
0xb8: {  	v6 =	vshll.u32 v6, $0x1;
	v7 =	vshll.u32 v5, $0x3  }
0xb9: {  	v51 =	vor.u32 s16, v0;
	v6 =	vand.u32 $0xFFFFFE00, v6;
	v7 =	vand.u32 $0xFFFFFFC0, v7  }
0xba: {  	v8 =	vand.u32 $0x38, v51;
	v6 =	vadd.s32 v6, v7  }
0xbb: {  	v5 =	vand.u32 $0x7, v5;
	v6 =	vor.u32 v8, v6  }
0xbc: {  	v5 =	vor.u32 v5, v6  }
0xbd: {  	s17 =	sadd.s32 $0xF0, s23;
	s0 =	simm.s32 @!p0 $0x7;
	[tilespmem:s22+$0x140] =	vst v5  }
0xbe: {  	v5 =	vmov s17;
	_ =	swait.ge @!p0 [sflag:s0], $0x2800  }
0xbf: {  	v6 =	vshrl.u32 v5, $0x3;
	[sflag:s0] =	ssyncset.done @!p0 $0x0  }
0xc0: {  	s18 =	simm.s32 $0x180;
	v6 =	vand.u32 $0x18, v6;
	[sflag:s0] =	ssyncadd.s32 @!p0 $0xFFFFD800  }
0xc1: {  	v6 =	vor.u32 v1, v6;
	[tilespmem:s11], [sflag:$0x3] =	stream.indirect.gather [hbm4b:s1+s10], $0x80, s18, s10, $0xb8;
	[tilespmem:$0xBC80] =	vst v63  }
0xc2: {  	_ =	swait.ge [sflag:s12], $0x2800  }
0xc3: {  	[sflag:s12] =	ssyncset.done $0x0  }
0xc4: {  	s25 =	sadd.s32 $0xA00, s8;
	s24 =	rddreg [dreg:$0x5];
	[sflag:s12] =	ssyncadd.s32 $0xFFFFD800  }
0xc5: {  	[hbm4b:s25+s3] =	stream.linear.scatter [tilespmem:s24], [sflag:$0x5], $0x2800, $0x38;
	[tilespmem:$0xBC80] =	vst v63  }
0xc6: {  	v6 =	vld.idx.msk [tilespmem:v6+s3+$0x0], $0xffff;
	_ =	sdelay $0x1  }
0xc7: {  	s26 =	sadd.s32 $0x100, s23  }
0xc8: {  	v7 =	vmov s26  }
0xc9: {  	v52 =	vshrl.u32 v7, $0x3  }
0xca: {  	v8 =	vand.u32 $0x18, v52;
	v5 =	vshll.u32 v5, $0x1;
	v53 =	vshll.u32 v6, $0x3  }
0xcb: {  	v8 =	vor.u32 v1, v8;
	v5 =	vand.u32 $0xFFFFFE00, v5;
	v9 =	vand.u32 $0xFFFFFFC0, v53  }
0xcc: {  	v6 =	vand.u32 $0x7, v6;
	v5 =	vadd.s32 v5, v9  }
0xcd: {  	v5 =	vor.u32 v6, v5  }
0xce: {  	v5 =	vor.u32 v4, v5  }
0xcf: {  	[tilespmem:s22+$0x180] =	vst v5  }
0xd0: {  	v5 =	vld.idx.msk [tilespmem:v8+s3+$0x0], $0xffff;
	_ =	sdelay $0x1  }
0xd1: {  	s28 =	sadd.s32 $0x110, s23  }
0xd2: {  	v6 =	vmov s28  }
0xd3: {  	v54 =	vor.u32 s26, v0;
	v55 =	vshrl.u32 v6, $0x3  }
0xd4: {  	v7 =	vshll.u32 v7, $0x1;
	v9 =	vand.u32 $0x18, v55;
	v56 =	vshll.u32 v5, $0x3  }
0xd5: {  	v7 =	vand.u32 $0xFFFFFE00, v7;
	v9 =	vor.u32 v1, v9;
	v10 =	vand.u32 $0xFFFFFFC0, v56  }
0xd6: {  	v8 =	vand.u32 $0x38, v54;
	v7 =	vadd.s32 v7, v10  }
0xd7: {  	v5 =	vand.u32 $0x7, v5;
	v7 =	vor.u32 v8, v7  }
0xd8: {  	v5 =	vor.u32 v5, v7  }
0xd9: {  	[tilespmem:s22+$0x190] =	vst v5  }
0xda: {  	v5 =	vld.idx.msk [tilespmem:v9+s3+$0x0], $0xffff;
	_ =	sdelay $0x1  }
0xdb: {  	s29 =	sadd.s32 $0x120, s23  }
0xdc: {  	v7 =	vmov s29  }
0xdd: {  	v58 =	vor.u32 s28, v0;
	v57 =	vshrl.u32 v7, $0x3  }
0xde: {  	v6 =	vshll.u32 v6, $0x1;
	v8 =	vand.u32 $0x18, v57;
	v59 =	vshll.u32 v5, $0x3  }
0xdf: {  	v6 =	vand.u32 $0xFFFFFE00, v6;
	v8 =	vor.u32 v1, v8;
	v10 =	vand.u32 $0xFFFFFFC0, v59  }
0xe0: {  	v9 =	vand.u32 $0x38, v58;
	v6 =	vadd.s32 v6, v10  }
0xe1: {  	v5 =	vand.u32 $0x7, v5;
	v6 =	vor.u32 v9, v6  }
0xe2: {  	v5 =	vor.u32 v5, v6  }
0xe3: {  	[tilespmem:s22+$0x1A0] =	vst v5  }
0xe4: {  	v5 =	vld.idx.msk [tilespmem:v8+s3+$0x0], $0xffff;
	_ =	sdelay $0x1  }
0xe5: {  	s30 =	sadd.s32 $0x130, s23  }
0xe6: {  	v6 =	vmov s30  }
0xe7: {  	v61 =	vor.u32 s29, v0;
	v60 =	vshrl.u32 v6, $0x3  }
0xe8: {  	v7 =	vshll.u32 v7, $0x1;
	v8 =	vand.u32 $0x18, v60;
	v62 =	vshll.u32 v5, $0x3  }
0xe9: {  	v7 =	vand.u32 $0xFFFFFE00, v7;
	v8 =	vor.u32 v1, v8;
	v10 =	vand.u32 $0xFFFFFFC0, v62  }
0xea: {  	v9 =	vand.u32 $0x38, v61;
	v7 =	vadd.s32 v7, v10  }
0xeb: {  	v5 =	vand.u32 $0x7, v5;
	v7 =	vor.u32 v9, v7  }
0xec: {  	v5 =	vor.u32 v5, v7  }
0xed: {  	[tilespmem:s22+$0x1B0] =	vst v5  }
0xee: {  	v5 =	vld.idx.msk [tilespmem:v8+s3+$0x0], $0xffff;
	_ =	sdelay $0x4  }
0xef: {  	v6 =	vshll.u32 v6, $0x1;
	v7 =	vshll.u32 v5, $0x3  }
0xf0: {  	v63 =	vor.u32 s30, v0;
	v6 =	vand.u32 $0xFFFFFE00, v6;
	v7 =	vand.u32 $0xFFFFFFC0, v7  }
0xf1: {  	v8 =	vand.u32 $0x38, v63;
	v6 =	vadd.s32 v6, v7  }
0xf2: {  	v5 =	vand.u32 $0x7, v5;
	v6 =	vor.u32 v8, v6  }
0xf3: {  	v5 =	vor.u32 v5, v6  }
0xf4: {  	s0 =	simm.s32 @!p0 $0x8;
	[tilespmem:s22+$0x1C0] =	vst v5  }
0xf5: {  	_ =	swait.ge @!p0 [sflag:s0], $0x2800  }
0xf6: {  	[sflag:s0] =	ssyncset.done @!p0 $0x0  }
0xf7: {  	s31 =	simm.s32 $0x200;
	[sflag:s0] =	ssyncadd.s32 @!p0 $0xFFFFD800  }
0xf8: {  	[tilespmem:s13], [sflag:$0x4] =	stream.indirect.gather [hbm4b:s1+s10], $0x80, s31, s10, $0xb8;
	[tilespmem:$0xBC80] =	vst v63  }
0xf9: {  	s23 =	smov.u32 s8;
	s26 =	smov.u32 s8;
	_ =	swait.ge [sflag:s14], $0x2800  }
0xfa: {  	s24 =	simm.s32 $0x140;
	s2 =	rddreg [dreg:$0x4];
	[sflag:s14] =	ssyncset.done $0x0  }
0xfb: {  	s25 =	simm.s32 $0x280;
	s0 =	rddreg [dreg:$0x6];
	[sflag:s14] =	ssyncadd.s32 $0xFFFFD800  }
.LBB2_2:
0xfc: {  	s15 =	sadd.s32 s24, s2  }
0xfd: {  	v5 =	vmov s15  }
0xfe: {  	v6 =	vshrl.u32 v5, $0x3  }
0xff: {  	v6 =	vand.u32 $0x18, v6  }
0x100: {  	v6 =	vor.u32 v1, v6;
	_ =	sdelay $0x2  }
0x101: {  	s9 =	sadd.s32 $0xF00, s26  }
0x102: {  	[hbm4b:s9+s3] =	stream.linear.scatter [tilespmem:s0], [sflag:$0x6], $0x2800, $0x38;
	[tilespmem:$0xBC80] =	vst v63  }
0x103: {  	v6 =	vld.idx.msk [tilespmem:v6+s3+$0x0], $0xffff  }
0x104: {  	s4 =	sadd.s32 $0x10, s15;
	s5 =	sadd.s32 $0x20, s15  }
0x105: {  	s7 =	sadd.s32 $0x30, s15;
	s31 =	sadd.s32 $0x40, s15;
	s16 =	sadd.s32 $0x50, s15;
	v5 =	vshll.u32 v5, $0x1;
	v7 =	vmov s4;
	v9 =	vmov s5  }
0x106: {  	s17 =	sadd.s32 $0x60, s15;
	s18 =	sadd.s32 $0x70, s15;
	v11 =	vmov s7;
	v25 =	vmov s31;
	v26 =	vmov s16  }
0x107: {  	v42 =	vmov s17;
	v28 =	vmov s18;
	v8 =	vshrl.u32 v7, $0x3  }
0x108: {  	v41 =	vor.u32 s17, v0;
	v8 =	vand.u32 $0x18, v8;
	v13 =	vshll.u32 v6, $0x3  }
0x109: {  	v5 =	vand.u32 $0xFFFFFE00, v5;
	v8 =	vor.u32 v1, v8;
	v55 =	vand.u32 $0xFFFFFFC0, v13  }
0x10a: {  	v10 =	vshrl.u32 v9, $0x3;
	v6 =	vand.u32 $0x7, v6;
	v5 =	vadd.s32 v5, v55  }
0x10b: {  	s22 =	sadd.s32 $0x200, s22;
	v7 =	vshll.u32 v7, $0x1;
	v51 =	vshll.u32 v9, $0x1;
	v5 =	vor.u32 v6, v5  }
0x10c: {  	s9 =	sadd.s32 $0xA0, s15;
	s6 =	sadd.s32 $0xB0, s15;
	s0 =	sadd.s32 $0xF0, s15;
	v24 =	vshrl.u32 v11, $0x3;
	v49 =	vshll.u32 v11, $0x1;
	v5 =	vor.u32 v0, v5  }
0x10d: {  	s2 =	sadd.s32 $0x100, s15;
	s28 =	sadd.s32 $0x110, s15;
	s30 =	sadd.s32 $0x120, s15;
	v12 =	vshrl.u32 v25, $0x3;
	v30 =	vshrl.u32 v28, $0x3;
	v6 =	vmov s9;
	[tilespmem:s22+$0x0] =	vst v5  }
0x10e: {  	s4 =	sadd.s32 $0xC0, s15;
	s7 =	sadd.s32 $0xD0, s15;
	s5 =	sadd.s32 $0xE0, s15;
	v43 =	vand.u32 $0x18, v30;
	v56 =	vshrl.u32 v6, $0x3;
	v30 =	vshll.u32 v6, $0x1;
	v6 =	vld.idx.msk [tilespmem:v8+s3+$0x0], $0xffff  }
0x10f: {  	s31 =	sadd.s32 $0x130, s15;
	s17 =	sadd.s32 $0x80, s15;
	s15 =	sadd.s32 $0x90, s15;
	v48 =	vshll.u32 v25, $0x1;
	v27 =	vshrl.u32 v26, $0x3;
	v45 =	vshll.u32 v26, $0x1  }
0x110: {  	v36 =	vmov s17;
	v31 =	vmov s15;
	v21 =	vmov s7  }
0x111: {  	v10 =	vand.u32 $0x18, v10;
	v52 =	vand.u32 $0x18, v24;
	v53 =	vshrl.u32 v36, $0x3  }
0x112: {  	v54 =	vshrl.u32 v31, $0x3;
	v7 =	vand.u32 $0xFFFFFE00, v7;
	v51 =	vand.u32 $0xFFFFFE00, v51  }
0x113: {  	v10 =	vor.u32 v1, v10;
	v5 =	vmov s6;
	v60 =	vshll.u32 v6, $0x3  }
0x114: {  	v57 =	vshrl.u32 v5, $0x3;
	v26 =	vshll.u32 v5, $0x1;
	v9 =	vand.u32 $0xFFFFFFC0, v60  }
0x115: {  	v5 =	vmov s4;
	v6 =	vand.u32 $0x7, v6;
	v7 =	vadd.s32 v7, v9  }
0x116: {  	v40 =	vand.u32 $0x18, v53;
	v58 =	vshrl.u32 v5, $0x3;
	v6 =	vor.u32 v6, v7  }
0x117: {  	v23 =	vshll.u32 v5, $0x1;
	v5 =	vshrl.u32 v21, $0x3;
	v6 =	vor.u32 v2, v6  }
0x118: {  	v37 =	vand.u32 $0x18, v54;
	v25 =	vand.u32 $0x18, v5;
	v5 =	vmov s5;
	[tilespmem:s22+$0x10] =	vst v6  }
0x119: {  	v59 =	vshrl.u32 v5, $0x3;
	v19 =	vshll.u32 v5, $0x1;
	v5 =	vmov s0;
	v53 =	vld.idx.msk [tilespmem:v10+s3+$0x0], $0xffff  }
0x11a: {  	v61 =	vshrl.u32 v5, $0x3;
	v15 =	vshll.u32 v5, $0x1;
	v5 =	vmov s2  }
0x11b: {  	v54 =	vmov s31;
	v52 =	vor.u32 v1, v52;
	v13 =	vshll.u32 v5, $0x1  }
0x11c: {  	v9 =	vshrl.u32 v54, $0x3;
	v7 =	vshrl.u32 v5, $0x3;
	v5 =	vmov s28  }
0x11d: {  	v6 =	vshrl.u32 v5, $0x3;
	v10 =	vshll.u32 v5, $0x1;
	v5 =	vmov s30  }
0x11e: {  	v14 =	vand.u32 $0x18, v6;
	v6 =	vshrl.u32 v5, $0x3;
	v62 =	vshll.u32 v53, $0x3  }
0x11f: {  	v11 =	vand.u32 $0x18, v6;
	v6 =	vshll.u32 v54, $0x1;
	v54 =	vand.u32 $0xFFFFFFC0, v62  }
0x120: {  	v53 =	vand.u32 $0x7, v53;
	v51 =	vadd.s32 v51, v54  }
0x121: {  	v51 =	vor.u32 v53, v51  }
0x122: {  	v51 =	vor.u32 v3, v51  }
0x123: {  	[tilespmem:s22+$0x20] =	vst v51  }
0x124: {  	v51 =	vld.idx.msk [tilespmem:v52+s3+$0x0], $0xffff;
	_ =	sdelay $0x4  }
0x125: {  	v50 =	vand.u32 $0x18, v12;
	v52 =	vshll.u32 v51, $0x3  }
0x126: {  	v49 =	vand.u32 $0xFFFFFE00, v49;
	v50 =	vor.u32 v1, v50;
	v52 =	vand.u32 $0xFFFFFFC0, v52  }
0x127: {  	v51 =	vand.u32 $0x7, v51;
	v49 =	vadd.s32 v49, v52  }
0x128: {  	v49 =	vor.u32 v51, v49  }
0x129: {  	v49 =	vor.u32 v4, v49  }
0x12a: {  	[tilespmem:s22+$0x30] =	vst v49  }
0x12b: {  	v49 =	vld.idx.msk [tilespmem:v50+s3+$0x0], $0xffff;
	_ =	sdelay $0x4  }
0x12c: {  	v50 =	vshll.u32 v49, $0x3  }
0x12d: {  	v48 =	vand.u32 $0xFFFFFE00, v48;
	v50 =	vand.u32 $0xFFFFFFC0, v50  }
0x12e: {  	v49 =	vand.u32 $0x7, v49;
	v48 =	vadd.s32 v48, v50  }
0x12f: {  	v48 =	vor.u32 v49, v48  }
0x130: {  	p1 =	seq.s32 s24, $0x0;
	v48 =	vor.u32 v0, v48  }
0x131: {  	v12 =	vor.u32 s2, v0;
	s0 =	simm.s32 @p1 $0x80;
	s2 =	simm.s32 @p1 $0x1C80;
	v16 =	vand.u32 $0x18, v7;
	v7 =	vor.u32 s30, v0;
	s30 =	simm.s32 @p1 $0x50;
	[tilespmem:s22+$0x40] =	vst v48  }
0x132: {  	[tilespmem:s2], [sflag:$0x1] =	stream.indirect.gather @p1 [hbm4b:s1+s30], $0x80, s0, s30, $0xb8;
	[tilespmem:$0xBC80] =	vst v63  }
0x133: {  	s0 =	simm.s32 @!p1 $0x5  }
0x134: {  	s29 =	smov.u32 s25;
	_ =	swait.ge @!p1 [sflag:s0], $0x2800  }
0x135: {  	s24 =	smov.u32 s29;
	s29 =	simm.s32 @!p1 $0x50;
	[sflag:s0] =	ssyncset.done @!p1 $0x0  }
0x136: {  	v47 =	vand.u32 $0x18, v27;
	s2 =	simm.s32 @!p1 $0x1C80;
	[sflag:s0] =	ssyncadd.s32 @!p1 $0xFFFFD800;
	s0 =	simm.s32 @!p1 $0x3  }
0x137: {  	v47 =	vor.u32 v1, v47;
	[tilespmem:s2], [sflag:$0x1] =	stream.indirect.gather @!p1 [hbm4b:s1+s29], $0x80, s22, s29, $0xb8;
	[tilespmem:$0xBC80] =	vst v63  }
0x138: {  	_ =	swait.ge @!p1 [sflag:s0], $0x2800  }
0x139: {  	s23 =	sadd.s32 $0x1400, s23;
	[sflag:s0] =	ssyncset.done @!p1 $0x0  }
0x13a: {  	v8 =	vshll.u32 v5, $0x1;
	v5 =	vor.u32 s31, v0;
	s31 =	simm.s32 @!p1 $0x0;
	s2 =	simm.s32 @!p1 $0x6C80;
	[sflag:s0] =	ssyncadd.s32 @!p1 $0xFFFFD800  }
0x13b: {  	[hbm4b:s23+s31] =	stream.linear.scatter @!p1 [tilespmem:s2], [sflag:$0x7], $0x2800, $0x38;
	[tilespmem:$0xBC80] =	vst v63  }
0x13c: {  	v47 =	vld.idx.msk [tilespmem:v47+s3+$0x0], $0xffff;
	_ =	sdelay $0x3  }
0x13d: {  	v29 =	vshrl.u32 v42, $0x3  }
0x13e: {  	v44 =	vor.u32 s16, v0;
	v46 =	vand.u32 $0x18, v29;
	v63 =	vshll.u32 v47, $0x3  }
0x13f: {  	v45 =	vand.u32 $0xFFFFFE00, v45;
	v46 =	vor.u32 v1, v46;
	v48 =	vand.u32 $0xFFFFFFC0, v63  }
0x140: {  	v44 =	vand.u32 $0x38, v44;
	v45 =	vadd.s32 v45, v48  }
0x141: {  	v47 =	vand.u32 $0x7, v47;
	v44 =	vor.u32 v44, v45  }
0x142: {  	v44 =	vor.u32 v47, v44  }
0x143: {  	[tilespmem:s22+$0x80] =	vst v44  }
0x144: {  	v44 =	vld.idx.msk [tilespmem:v46+s3+$0x0], $0xffff;
	_ =	sdelay $0x4  }
0x145: {  	v42 =	vshll.u32 v42, $0x1;
	v52 =	vshll.u32 v44, $0x3  }
0x146: {  	v42 =	vand.u32 $0xFFFFFE00, v42;
	v43 =	vor.u32 v1, v43;
	v45 =	vand.u32 $0xFFFFFFC0, v52  }
0x147: {  	v41 =	vand.u32 $0x38, v41;
	v42 =	vadd.s32 v42, v45  }
0x148: {  	v44 =	vand.u32 $0x7, v44;
	v41 =	vor.u32 v41, v42  }
0x149: {  	v41 =	vor.u32 v44, v41  }
0x14a: {  	[tilespmem:s22+$0x90] =	vst v41  }
0x14b: {  	v41 =	vld.idx.msk [tilespmem:v43+s3+$0x0], $0xffff;
	_ =	sdelay $0x4  }
0x14c: {  	v38 =	vor.u32 s18, v0;
	v39 =	vshll.u32 v28, $0x1;
	v53 =	vshll.u32 v41, $0x3  }
0x14d: {  	v39 =	vand.u32 $0xFFFFFE00, v39;
	v40 =	vor.u32 v1, v40;
	v42 =	vand.u32 $0xFFFFFFC0, v53  }
0x14e: {  	v38 =	vand.u32 $0x38, v38;
	v39 =	vadd.s32 v39, v42  }
0x14f: {  	v41 =	vand.u32 $0x7, v41;
	v38 =	vor.u32 v38, v39  }
0x150: {  	v38 =	vor.u32 v41, v38  }
0x151: {  	[tilespmem:s22+$0xA0] =	vst v38  }
0x152: {  	v38 =	vld.idx.msk [tilespmem:v40+s3+$0x0], $0xffff;
	_ =	sdelay $0x4  }
0x153: {  	v35 =	vor.u32 s17, v0;
	v36 =	vshll.u32 v36, $0x1;
	v54 =	vshll.u32 v38, $0x3  }
0x154: {  	v36 =	vand.u32 $0xFFFFFE00, v36;
	v37 =	vor.u32 v1, v37;
	v39 =	vand.u32 $0xFFFFFFC0, v54  }
0x155: {  	v35 =	vand.u32 $0x38, v35;
	v36 =	vadd.s32 v36, v39  }
0x156: {  	v38 =	vand.u32 $0x7, v38;
	v35 =	vor.u32 v35, v36  }
0x157: {  	v35 =	vor.u32 v38, v35  }
0x158: {  	[tilespmem:s22+$0xB0] =	vst v35  }
0x159: {  	v35 =	vld.idx.msk [tilespmem:v37+s3+$0x0], $0xffff;
	_ =	sdelay $0x4  }
0x15a: {  	v34 =	vshll.u32 v31, $0x1;
	v55 =	vshll.u32 v35, $0x3  }
0x15b: {  	v33 =	vor.u32 s15, v0;
	v34 =	vand.u32 $0xFFFFFE00, v34;
	v36 =	vand.u32 $0xFFFFFFC0, v55  }
0x15c: {  	v33 =	vand.u32 $0x38, v33;
	v34 =	vadd.s32 v34, v36  }
0x15d: {  	v35 =	vand.u32 $0x7, v35;
	v33 =	vor.u32 v33, v34  }
0x15e: {  	v33 =	vor.u32 v35, v33  }
0x15f: {  	v24 =	vor.u32 s4, v0;
	s4 =	simm.s32 @!p1 $0x6;
	s0 =	simm.s32 @p1 $0x100;
	s2 =	simm.s32 @p1 $0x4480;
	[tilespmem:s22+$0xC0] =	vst v33  }
0x160: {  	[tilespmem:s2], [sflag:$0x2] =	stream.indirect.gather @p1 [hbm4b:s1+s30], $0x80, s0, s30, $0xb8;
	[tilespmem:$0xBC80] =	vst v63  }
0x161: {  	_ =	swait.ge @!p1 [sflag:s4], $0x2800  }
0x162: {  	s0 =	sadd.s32 $0x80, s22;
	[sflag:s4] =	ssyncset.done @!p1 $0x0  }
0x163: {  	v32 =	vand.u32 $0x18, v56;
	s2 =	simm.s32 @!p1 $0x4480;
	[sflag:s4] =	ssyncadd.s32 @!p1 $0xFFFFD800;
	s4 =	simm.s32 @!p1 $0x4  }
0x164: {  	v32 =	vor.u32 v1, v32;
	[tilespmem:s2], [sflag:$0x2] =	stream.indirect.gather @!p1 [hbm4b:s1+s29], $0x80, s0, s29, $0xb8;
	[tilespmem:$0xBC80] =	vst v63  }
0x165: {  	_ =	swait.ge @!p1 [sflag:s4], $0x2800  }
0x166: {  	[sflag:s4] =	ssyncset.done @!p1 $0x0  }
0x167: {  	s0 =	sadd.s32 @!p1 $0x500, s23;
	s2 =	simm.s32 @!p1 $0x9480;
	[sflag:s4] =	ssyncadd.s32 @!p1 $0xFFFFD800  }
0x168: {  	[hbm4b:s0+s31] =	stream.linear.scatter @!p1 [tilespmem:s2], [sflag:$0x8], $0x2800, $0x38;
	[tilespmem:$0xBC80] =	vst v63  }
0x169: {  	v32 =	vld.idx.msk [tilespmem:v32+s3+$0x0], $0xffff;
	_ =	sdelay $0x4  }
0x16a: {  	v29 =	vor.u32 s9, v0;
	v31 =	vand.u32 $0x18, v57;
	v56 =	vshll.u32 v32, $0x3  }
0x16b: {  	v30 =	vand.u32 $0xFFFFFE00, v30;
	v31 =	vor.u32 v1, v31;
	v33 =	vand.u32 $0xFFFFFFC0, v56  }
0x16c: {  	v29 =	vand.u32 $0x38, v29;
	v30 =	vadd.s32 v30, v33  }
0x16d: {  	v32 =	vand.u32 $0x7, v32;
	v29 =	vor.u32 v29, v30  }
0x16e: {  	v29 =	vor.u32 v32, v29  }
0x16f: {  	[tilespmem:s22+$0x100] =	vst v29  }
0x170: {  	v29 =	vld.idx.msk [tilespmem:v31+s3+$0x0], $0xffff;
	_ =	sdelay $0x4  }
0x171: {  	v27 =	vor.u32 s6, v0;
	v28 =	vand.u32 $0x18, v58;
	v57 =	vshll.u32 v29, $0x3  }
0x172: {  	v26 =	vand.u32 $0xFFFFFE00, v26;
	v28 =	vor.u32 v1, v28;
	v30 =	vand.u32 $0xFFFFFFC0, v57  }
0x173: {  	v27 =	vand.u32 $0x38, v27;
	v26 =	vadd.s32 v26, v30  }
0x174: {  	v29 =	vand.u32 $0x7, v29;
	v26 =	vor.u32 v27, v26  }
0x175: {  	v26 =	vor.u32 v29, v26  }
0x176: {  	[tilespmem:s22+$0x110] =	vst v26  }
0x177: {  	v26 =	vld.idx.msk [tilespmem:v28+s3+$0x0], $0xffff;
	_ =	sdelay $0x4  }
0x178: {  	v58 =	vshll.u32 v26, $0x3  }
0x179: {  	v23 =	vand.u32 $0xFFFFFE00, v23;
	v25 =	vor.u32 v1, v25;
	v27 =	vand.u32 $0xFFFFFFC0, v58  }
0x17a: {  	v24 =	vand.u32 $0x38, v24;
	v23 =	vadd.s32 v23, v27  }
0x17b: {  	v26 =	vand.u32 $0x7, v26;
	v23 =	vor.u32 v24, v23  }
0x17c: {  	v23 =	vor.u32 v26, v23  }
0x17d: {  	[tilespmem:s22+$0x120] =	vst v23  }
0x17e: {  	v23 =	vld.idx.msk [tilespmem:v25+s3+$0x0], $0xffff;
	_ =	sdelay $0x3  }
0x17f: {  	v20 =	vor.u32 s7, v0  }
0x180: {  	v21 =	vshll.u32 v21, $0x1;
	v22 =	vand.u32 $0x18, v59;
	v59 =	vshll.u32 v23, $0x3  }
0x181: {  	v21 =	vand.u32 $0xFFFFFE00, v21;
	v22 =	vor.u32 v1, v22;
	v24 =	vand.u32 $0xFFFFFFC0, v59  }
0x182: {  	v20 =	vand.u32 $0x38, v20;
	v21 =	vadd.s32 v21, v24  }
0x183: {  	v23 =	vand.u32 $0x7, v23;
	v20 =	vor.u32 v20, v21  }
0x184: {  	v20 =	vor.u32 v23, v20  }
0x185: {  	[tilespmem:s22+$0x130] =	vst v20  }
0x186: {  	v20 =	vld.idx.msk [tilespmem:v22+s3+$0x0], $0xffff;
	_ =	sdelay $0x4  }
0x187: {  	v60 =	vshll.u32 v20, $0x3  }
0x188: {  	v18 =	vor.u32 s5, v0;
	v19 =	vand.u32 $0xFFFFFE00, v19;
	v21 =	vand.u32 $0xFFFFFFC0, v60  }
0x189: {  	v18 =	vand.u32 $0x38, v18;
	v19 =	vadd.s32 v19, v21  }
0x18a: {  	v20 =	vand.u32 $0x7, v20;
	v18 =	vor.u32 v18, v19  }
0x18b: {  	v18 =	vor.u32 v20, v18  }
0x18c: {  	s0 =	simm.s32 @!p1 $0x7;
	[tilespmem:s22+$0x140] =	vst v18  }
0x18d: {  	_ =	swait.ge @!p1 [sflag:s0], $0x2800  }
0x18e: {  	[sflag:s0] =	ssyncset.done @!p1 $0x0  }
0x18f: {  	s18 =	sadd.s32 $0x100, s22;
	v17 =	vand.u32 $0x18, v61;
	[sflag:s0] =	ssyncadd.s32 @!p1 $0xFFFFD800  }
0x190: {  	v17 =	vor.u32 v1, v17;
	[tilespmem:s11], [sflag:$0x3] =	stream.indirect.gather [hbm4b:s1+s10], $0x80, s18, s10, $0xb8;
	[tilespmem:$0xBC80] =	vst v63  }
0x191: {  	_ =	swait.ge [sflag:s12], $0x2800  }
0x192: {  	[sflag:s12] =	ssyncset.done $0x0  }
0x193: {  	s30 =	sadd.s32 $0xA00, s23;
	s29 =	rddreg [dreg:$0x5];
	[sflag:s12] =	ssyncadd.s32 $0xFFFFD800  }
0x194: {  	[hbm4b:s30+s3] =	stream.linear.scatter [tilespmem:s29], [sflag:$0x5], $0x2800, $0x38;
	[tilespmem:$0xBC80] =	vst v63  }
0x195: {  	v17 =	vld.idx.msk [tilespmem:v17+s3+$0x0], $0xffff;
	_ =	sdelay $0x4  }
0x196: {  	v61 =	vshll.u32 v17, $0x3  }
0x197: {  	v15 =	vand.u32 $0xFFFFFE00, v15;
	v16 =	vor.u32 v1, v16;
	v18 =	vand.u32 $0xFFFFFFC0, v61  }
0x198: {  	v17 =	vand.u32 $0x7, v17;
	v15 =	vadd.s32 v15, v18  }
0x199: {  	v15 =	vor.u32 v17, v15  }
0x19a: {  	v15 =	vor.u32 v4, v15  }
0x19b: {  	[tilespmem:s22+$0x180] =	vst v15  }
0x19c: {  	v15 =	vld.idx.msk [tilespmem:v16+s3+$0x0], $0xffff;
	_ =	sdelay $0x4  }
0x19d: {  	v16 =	vshll.u32 v15, $0x3  }
0x19e: {  	v13 =	vand.u32 $0xFFFFFE00, v13;
	v14 =	vor.u32 v1, v14;
	v16 =	vand.u32 $0xFFFFFFC0, v16  }
0x19f: {  	v12 =	vand.u32 $0x38, v12;
	v13 =	vadd.s32 v13, v16  }
0x1a0: {  	v15 =	vand.u32 $0x7, v15;
	v12 =	vor.u32 v12, v13  }
0x1a1: {  	v12 =	vor.u32 v15, v12  }
0x1a2: {  	[tilespmem:s22+$0x190] =	vst v12  }
0x1a3: {  	v12 =	vld.idx.msk [tilespmem:v14+s3+$0x0], $0xffff;
	_ =	sdelay $0x4  }
0x1a4: {  	v10 =	vand.u32 $0xFFFFFE00, v10;
	v14 =	vshll.u32 v12, $0x3  }
0x1a5: {  	v11 =	vor.u32 v1, v11;
	v62 =	vor.u32 s28, v0;
	v14 =	vand.u32 $0xFFFFFFC0, v14  }
0x1a6: {  	v13 =	vand.u32 $0x38, v62;
	v10 =	vadd.s32 v10, v14  }
0x1a7: {  	v12 =	vand.u32 $0x7, v12;
	v10 =	vor.u32 v13, v10  }
0x1a8: {  	v10 =	vor.u32 v12, v10  }
0x1a9: {  	[tilespmem:s22+$0x1A0] =	vst v10  }
0x1aa: {  	v10 =	vld.idx.msk [tilespmem:v11+s3+$0x0], $0xffff;
	_ =	sdelay $0x4  }
0x1ab: {  	v9 =	vand.u32 $0x18, v9;
	v11 =	vshll.u32 v10, $0x3  }
0x1ac: {  	v9 =	vor.u32 v1, v9;
	v8 =	vand.u32 $0xFFFFFE00, v8;
	v11 =	vand.u32 $0xFFFFFFC0, v11  }
0x1ad: {  	v7 =	vand.u32 $0x38, v7;
	v8 =	vadd.s32 v8, v11  }
0x1ae: {  	v10 =	vand.u32 $0x7, v10;
	v7 =	vor.u32 v7, v8  }
0x1af: {  	v7 =	vor.u32 v10, v7  }
0x1b0: {  	[tilespmem:s22+$0x1B0] =	vst v7  }
0x1b1: {  	v7 =	vld.idx.msk [tilespmem:v9+s3+$0x0], $0xffff;
	_ =	sdelay $0x4  }
0x1b2: {  	v63 =	vshll.u32 v7, $0x3  }
0x1b3: {  	v6 =	vand.u32 $0xFFFFFE00, v6;
	v8 =	vand.u32 $0xFFFFFFC0, v63  }
0x1b4: {  	v5 =	vand.u32 $0x38, v5;
	v6 =	vadd.s32 v6, v8  }
0x1b5: {  	v7 =	vand.u32 $0x7, v7;
	v5 =	vor.u32 v5, v6  }
0x1b6: {  	v5 =	vor.u32 v7, v5  }
0x1b7: {  	s0 =	simm.s32 @!p1 $0x8;
	[tilespmem:s22+$0x1C0] =	vst v5  }
0x1b8: {  	s25 =	sadd.s32 $0x140, s25;
	_ =	swait.ge @!p1 [sflag:s0], $0x2800  }
0x1b9: {  	p0 =	sne.s32 s25, $0x1040;
	[sflag:s0] =	ssyncset.done @!p1 $0x0  }
.Ltmp0:
0x1ba: {  	s31 =	sadd.s32 $0x180, s22;
	[sflag:s0] =	ssyncadd.s32 @!p1 $0xFFFFD800;
	(pc) =	sbr.rel @p0 .LBB2_2-.Ltmp0, $4  }
0x1bb: {  	[tilespmem:s13], [sflag:$0x4] =	stream.indirect.gather [hbm4b:s1+s10], $0x80, s31, s10, $0xb8;
	[tilespmem:$0xBC80] =	vst v63  }
0x1bc: {  	_ =	swait.ge [sflag:s14], $0x2800  }
0x1bd: {  	s2 =	rddreg [dreg:$0x4];
	[sflag:s14] =	ssyncset.done $0x0  }
0x1be: {  	s26 =	smov.u32 s23;
	s0 =	rddreg [dreg:$0x6];
	[sflag:s14] =	ssyncadd.s32 $0xFFFFD800  }
0x1bf: {  	s25 =	sadd.s32 s24, s2  }
0x1c0: {  	v5 =	vmov s25  }
0x1c1: {  	v6 =	vshrl.u32 v5, $0x3  }
0x1c2: {  	v6 =	vand.u32 $0x18, v6  }
0x1c3: {  	v6 =	vor.u32 v1, v6;
	_ =	sdelay $0x2  }
0x1c4: {  	s31 =	sadd.s32 $0xF00, s26  }
0x1c5: {  	[hbm4b:s31+s3] =	stream.linear.scatter [tilespmem:s0], [sflag:$0x6], $0x2800, $0x38;
	[tilespmem:$0xBC80] =	vst v63  }
0x1c6: {  	v6 =	vld.idx.msk [tilespmem:v6+s3+$0x0], $0xffff;
	_ =	sdelay $0x1  }
0x1c7: {  	s2 =	sadd.s32 $0x10, s25  }
0x1c8: {  	v7 =	vmov s2  }
0x1c9: {  	v8 =	vshrl.u32 v7, $0x3  }
0x1ca: {  	v5 =	vshll.u32 v5, $0x1;
	v8 =	vand.u32 $0x18, v8;
	v9 =	vshll.u32 v6, $0x3  }
0x1cb: {  	v5 =	vand.u32 $0xFFFFFE00, v5;
	v8 =	vor.u32 v1, v8;
	v9 =	vand.u32 $0xFFFFFFC0, v9  }
0x1cc: {  	v6 =	vand.u32 $0x7, v6;
	v5 =	vadd.s32 v5, v9  }
0x1cd: {  	v5 =	vor.u32 v6, v5  }
0x1ce: {  	s22 =	sadd.s32 $0x200, s22;
	v5 =	vor.u32 v0, v5  }
0x1cf: {  	[tilespmem:s22+$0x0] =	vst v5  }
0x1d0: {  	v5 =	vld.idx.msk [tilespmem:v8+s3+$0x0], $0xffff;
	_ =	sdelay $0x1  }
0x1d1: {  	s4 =	sadd.s32 $0x20, s25  }
0x1d2: {  	v6 =	vmov s4  }
0x1d3: {  	v21 =	vshrl.u32 v6, $0x3  }
0x1d4: {  	v7 =	vshll.u32 v7, $0x1;
	v8 =	vand.u32 $0x18, v21;
	v22 =	vshll.u32 v5, $0x3  }
0x1d5: {  	v7 =	vand.u32 $0xFFFFFE00, v7;
	v8 =	vor.u32 v1, v8;
	v9 =	vand.u32 $0xFFFFFFC0, v22  }
0x1d6: {  	v5 =	vand.u32 $0x7, v5;
	v7 =	vadd.s32 v7, v9  }
0x1d7: {  	v5 =	vor.u32 v5, v7  }
0x1d8: {  	v5 =	vor.u32 v2, v5  }
0x1d9: {  	[tilespmem:s22+$0x10] =	vst v5  }
0x1da: {  	v5 =	vld.idx.msk [tilespmem:v8+s3+$0x0], $0xffff;
	_ =	sdelay $0x1  }
0x1db: {  	s5 =	sadd.s32 $0x30, s25  }
0x1dc: {  	v7 =	vmov s5  }
0x1dd: {  	v23 =	vshrl.u32 v7, $0x3  }
0x1de: {  	v6 =	vshll.u32 v6, $0x1;
	v8 =	vand.u32 $0x18, v23;
	v24 =	vshll.u32 v5, $0x3  }
0x1df: {  	v6 =	vand.u32 $0xFFFFFE00, v6;
	v8 =	vor.u32 v1, v8;
	v9 =	vand.u32 $0xFFFFFFC0, v24  }
0x1e0: {  	v5 =	vand.u32 $0x7, v5;
	v6 =	vadd.s32 v6, v9  }
0x1e1: {  	v5 =	vor.u32 v5, v6  }
0x1e2: {  	v5 =	vor.u32 v3, v5  }
0x1e3: {  	[tilespmem:s22+$0x20] =	vst v5  }
0x1e4: {  	v5 =	vld.idx.msk [tilespmem:v8+s3+$0x0], $0xffff;
	_ =	sdelay $0x1  }
0x1e5: {  	s6 =	sadd.s32 $0x40, s25  }
0x1e6: {  	v6 =	vmov s6  }
0x1e7: {  	v25 =	vshrl.u32 v6, $0x3  }
0x1e8: {  	v7 =	vshll.u32 v7, $0x1;
	v8 =	vand.u32 $0x18, v25;
	v26 =	vshll.u32 v5, $0x3  }
0x1e9: {  	v7 =	vand.u32 $0xFFFFFE00, v7;
	v8 =	vor.u32 v1, v8;
	v9 =	vand.u32 $0xFFFFFFC0, v26  }
0x1ea: {  	v5 =	vand.u32 $0x7, v5;
	v7 =	vadd.s32 v7, v9  }
0x1eb: {  	v5 =	vor.u32 v5, v7  }
0x1ec: {  	v5 =	vor.u32 v4, v5  }
0x1ed: {  	[tilespmem:s22+$0x30] =	vst v5  }
0x1ee: {  	v5 =	vld.idx.msk [tilespmem:v8+s3+$0x0], $0xffff;
	_ =	sdelay $0x4  }
0x1ef: {  	v6 =	vshll.u32 v6, $0x1;
	v7 =	vshll.u32 v5, $0x3  }
0x1f0: {  	v6 =	vand.u32 $0xFFFFFE00, v6;
	v7 =	vand.u32 $0xFFFFFFC0, v7  }
0x1f1: {  	v5 =	vand.u32 $0x7, v5;
	v6 =	vadd.s32 v6, v7  }
0x1f2: {  	v5 =	vor.u32 v5, v6  }
0x1f3: {  	p0 =	seq.s32 s24, $0x0;
	v5 =	vor.u32 v0, v5  }
0x1f4: {  	s0 =	simm.s32 @p0 $0x80;
	s2 =	simm.s32 @p0 $0x50;
	s4 =	simm.s32 @p0 $0x1C80;
	[tilespmem:s22+$0x40] =	vst v5  }
0x1f5: {  	[tilespmem:s4], [sflag:$0x1] =	stream.indirect.gather @p0 [hbm4b:s1+s2], $0x80, s0, s2, $0xb8;
	[tilespmem:$0xBC80] =	vst v63  }
0x1f6: {  	s7 =	sadd.s32 $0x50, s25;
	s4 =	simm.s32 @!p0 $0x5  }
0x1f7: {  	v5 =	vmov s7;
	_ =	swait.ge @!p0 [sflag:s4], $0x2800  }
0x1f8: {  	s24 =	simm.s32 @!p0 $0x50;
	v6 =	vshrl.u32 v5, $0x3;
	[sflag:s4] =	ssyncset.done @!p0 $0x0  }
0x1f9: {  	s5 =	simm.s32 @!p0 $0x1C80;
	v6 =	vand.u32 $0x18, v6;
	[sflag:s4] =	ssyncadd.s32 @!p0 $0xFFFFD800;
	s4 =	simm.s32 @!p0 $0x3  }
0x1fa: {  	v6 =	vor.u32 v1, v6;
	[tilespmem:s5], [sflag:$0x1] =	stream.indirect.gather @!p0 [hbm4b:s1+s24], $0x80, s22, s24, $0xb8;
	[tilespmem:$0xBC80] =	vst v63  }
0x1fb: {  	_ =	swait.ge @!p0 [sflag:s4], $0x2800  }
0x1fc: {  	s23 =	sadd.s32 $0x1400, s23;
	[sflag:s4] =	ssyncset.done @!p0 $0x0  }
0x1fd: {  	s26 =	simm.s32 @!p0 $0x0;
	[sflag:s4] =	ssyncadd.s32 @!p0 $0xFFFFD800;
	s4 =	simm.s32 @!p0 $0x6C80  }
0x1fe: {  	[hbm4b:s23+s26] =	stream.linear.scatter @!p0 [tilespmem:s4], [sflag:$0x7], $0x2800, $0x38;
	[tilespmem:$0xBC80] =	vst v63  }
0x1ff: {  	v6 =	vld.idx.msk [tilespmem:v6+s3+$0x0], $0xffff;
	_ =	sdelay $0x1  }
0x200: {  	s9 =	sadd.s32 $0x60, s25  }
0x201: {  	v7 =	vmov s9  }
0x202: {  	v28 =	vor.u32 s7, v0;
	v27 =	vshrl.u32 v7, $0x3  }
0x203: {  	v8 =	vand.u32 $0x18, v27;
	v5 =	vshll.u32 v5, $0x1;
	v10 =	vshll.u32 v6, $0x3  }
0x204: {  	v8 =	vor.u32 v1, v8;
	v5 =	vand.u32 $0xFFFFFE00, v5;
	v10 =	vand.u32 $0xFFFFFFC0, v10  }
0x205: {  	v9 =	vand.u32 $0x38, v28;
	v5 =	vadd.s32 v5, v10  }
0x206: {  	v6 =	vand.u32 $0x7, v6;
	v5 =	vor.u32 v9, v5  }
0x207: {  	v5 =	vor.u32 v6, v5  }
0x208: {  	[tilespmem:s22+$0x80] =	vst v5  }
0x209: {  	v5 =	vld.idx.msk [tilespmem:v8+s3+$0x0], $0xffff;
	_ =	sdelay $0x1  }
0x20a: {  	s15 =	sadd.s32 $0x70, s25  }
0x20b: {  	v6 =	vmov s15  }
0x20c: {  	v29 =	vor.u32 s9, v0;
	v30 =	vshrl.u32 v6, $0x3  }
0x20d: {  	v7 =	vshll.u32 v7, $0x1;
	v9 =	vand.u32 $0x18, v30;
	v31 =	vshll.u32 v5, $0x3  }
0x20e: {  	v7 =	vand.u32 $0xFFFFFE00, v7;
	v9 =	vor.u32 v1, v9;
	v10 =	vand.u32 $0xFFFFFFC0, v31  }
0x20f: {  	v8 =	vand.u32 $0x38, v29;
	v7 =	vadd.s32 v7, v10  }
0x210: {  	v5 =	vand.u32 $0x7, v5;
	v7 =	vor.u32 v8, v7  }
0x211: {  	v5 =	vor.u32 v5, v7  }
0x212: {  	[tilespmem:s22+$0x90] =	vst v5  }
0x213: {  	v5 =	vld.idx.msk [tilespmem:v9+s3+$0x0], $0xffff;
	_ =	sdelay $0x1  }
0x214: {  	s16 =	sadd.s32 $0x80, s25  }
0x215: {  	v7 =	vmov s16  }
0x216: {  	v33 =	vor.u32 s15, v0;
	v32 =	vshrl.u32 v7, $0x3  }
0x217: {  	v6 =	vshll.u32 v6, $0x1;
	v8 =	vand.u32 $0x18, v32;
	v34 =	vshll.u32 v5, $0x3  }
0x218: {  	v6 =	vand.u32 $0xFFFFFE00, v6;
	v8 =	vor.u32 v1, v8;
	v10 =	vand.u32 $0xFFFFFFC0, v34  }
0x219: {  	v9 =	vand.u32 $0x38, v33;
	v6 =	vadd.s32 v6, v10  }
0x21a: {  	v5 =	vand.u32 $0x7, v5;
	v6 =	vor.u32 v9, v6  }
0x21b: {  	v5 =	vor.u32 v5, v6  }
0x21c: {  	[tilespmem:s22+$0xA0] =	vst v5  }
0x21d: {  	v5 =	vld.idx.msk [tilespmem:v8+s3+$0x0], $0xffff;
	_ =	sdelay $0x1  }
0x21e: {  	s17 =	sadd.s32 $0x90, s25  }
0x21f: {  	v6 =	vmov s17  }
0x220: {  	v35 =	vor.u32 s16, v0;
	v36 =	vshrl.u32 v6, $0x3  }
0x221: {  	v7 =	vshll.u32 v7, $0x1;
	v9 =	vand.u32 $0x18, v36;
	v37 =	vshll.u32 v5, $0x3  }
0x222: {  	v7 =	vand.u32 $0xFFFFFE00, v7;
	v9 =	vor.u32 v1, v9;
	v10 =	vand.u32 $0xFFFFFFC0, v37  }
0x223: {  	v8 =	vand.u32 $0x38, v35;
	v7 =	vadd.s32 v7, v10  }
0x224: {  	v5 =	vand.u32 $0x7, v5;
	v7 =	vor.u32 v8, v7  }
0x225: {  	v5 =	vor.u32 v5, v7  }
0x226: {  	[tilespmem:s22+$0xB0] =	vst v5  }
0x227: {  	v5 =	vld.idx.msk [tilespmem:v9+s3+$0x0], $0xffff;
	_ =	sdelay $0x4  }
0x228: {  	v6 =	vshll.u32 v6, $0x1;
	v7 =	vshll.u32 v5, $0x3  }
0x229: {  	v38 =	vor.u32 s17, v0;
	v6 =	vand.u32 $0xFFFFFE00, v6;
	v7 =	vand.u32 $0xFFFFFFC0, v7  }
0x22a: {  	v8 =	vand.u32 $0x38, v38;
	v6 =	vadd.s32 v6, v7  }
0x22b: {  	v5 =	vand.u32 $0x7, v5;
	v6 =	vor.u32 v8, v6  }
0x22c: {  	v5 =	vor.u32 v5, v6  }
0x22d: {  	s0 =	simm.s32 @p0 $0x100;
	s4 =	simm.s32 @p0 $0x4480;
	[tilespmem:s22+$0xC0] =	vst v5  }
0x22e: {  	[tilespmem:s4], [sflag:$0x2] =	stream.indirect.gather @p0 [hbm4b:s1+s2], $0x80, s0, s2, $0xb8;
	[tilespmem:$0xBC80] =	vst v63  }
0x22f: {  	s0 =	simm.s32 @!p0 $0x6  }
0x230: {  	s18 =	sadd.s32 $0xA0, s25;
	_ =	swait.ge @!p0 [sflag:s0], $0x2800  }
0x231: {  	v5 =	vmov s18;
	[sflag:s0] =	ssyncset.done @!p0 $0x0  }
0x232: {  	v6 =	vshrl.u32 v5, $0x3;
	s4 =	sadd.s32 $0x80, s22;
	[sflag:s0] =	ssyncadd.s32 @!p0 $0xFFFFD800;
	s0 =	simm.s32 @!p0 $0x4480  }
0x233: {  	v6 =	vand.u32 $0x18, v6;
	[tilespmem:s0], [sflag:$0x2] =	stream.indirect.gather @!p0 [hbm4b:s1+s24], $0x80, s4, s24, $0xb8;
	[tilespmem:$0xBC80] =	vst v63  }
0x234: {  	v6 =	vor.u32 v1, v6;
	s0 =	simm.s32 @!p0 $0x4  }
0x235: {  	_ =	swait.ge @!p0 [sflag:s0], $0x2800  }
0x236: {  	[sflag:s0] =	ssyncset.done @!p0 $0x0  }
0x237: {  	s4 =	sadd.s32 @!p0 $0x500, s23;
	[sflag:s0] =	ssyncadd.s32 @!p0 $0xFFFFD800;
	s0 =	simm.s32 @!p0 $0x9480  }
0x238: {  	[hbm4b:s4+s26] =	stream.linear.scatter @!p0 [tilespmem:s0], [sflag:$0x8], $0x2800, $0x38;
	[tilespmem:$0xBC80] =	vst v63  }
0x239: {  	v6 =	vld.idx.msk [tilespmem:v6+s3+$0x0], $0xffff;
	_ =	sdelay $0x1  }
0x23a: {  	s28 =	sadd.s32 $0xB0, s25  }
0x23b: {  	v7 =	vmov s28  }
0x23c: {  	v40 =	vor.u32 s18, v0;
	v39 =	vshrl.u32 v7, $0x3  }
0x23d: {  	v8 =	vand.u32 $0x18, v39;
	v5 =	vshll.u32 v5, $0x1;
	v41 =	vshll.u32 v6, $0x3  }
0x23e: {  	v8 =	vor.u32 v1, v8;
	v5 =	vand.u32 $0xFFFFFE00, v5;
	v10 =	vand.u32 $0xFFFFFFC0, v41  }
0x23f: {  	v9 =	vand.u32 $0x38, v40;
	v5 =	vadd.s32 v5, v10  }
0x240: {  	v6 =	vand.u32 $0x7, v6;
	v5 =	vor.u32 v9, v5  }
0x241: {  	v5 =	vor.u32 v6, v5  }
0x242: {  	[tilespmem:s22+$0x100] =	vst v5  }
0x243: {  	v5 =	vld.idx.msk [tilespmem:v8+s3+$0x0], $0xffff;
	_ =	sdelay $0x1  }
0x244: {  	s29 =	sadd.s32 $0xC0, s25  }
0x245: {  	v6 =	vmov s29  }
0x246: {  	v43 =	vor.u32 s28, v0;
	v42 =	vshrl.u32 v6, $0x3  }
0x247: {  	v7 =	vshll.u32 v7, $0x1;
	v8 =	vand.u32 $0x18, v42;
	v44 =	vshll.u32 v5, $0x3  }
0x248: {  	v7 =	vand.u32 $0xFFFFFE00, v7;
	v8 =	vor.u32 v1, v8;
	v10 =	vand.u32 $0xFFFFFFC0, v44  }
0x249: {  	v9 =	vand.u32 $0x38, v43;
	v7 =	vadd.s32 v7, v10  }
0x24a: {  	v5 =	vand.u32 $0x7, v5;
	v7 =	vor.u32 v9, v7  }
0x24b: {  	v5 =	vor.u32 v5, v7  }
0x24c: {  	[tilespmem:s22+$0x110] =	vst v5  }
0x24d: {  	v5 =	vld.idx.msk [tilespmem:v8+s3+$0x0], $0xffff;
	_ =	sdelay $0x1  }
0x24e: {  	s30 =	sadd.s32 $0xD0, s25  }
0x24f: {  	v7 =	vmov s30  }
0x250: {  	v46 =	vor.u32 s29, v0;
	v45 =	vshrl.u32 v7, $0x3  }
0x251: {  	v6 =	vshll.u32 v6, $0x1;
	v8 =	vand.u32 $0x18, v45;
	v47 =	vshll.u32 v5, $0x3  }
0x252: {  	v6 =	vand.u32 $0xFFFFFE00, v6;
	v8 =	vor.u32 v1, v8;
	v10 =	vand.u32 $0xFFFFFFC0, v47  }
0x253: {  	v9 =	vand.u32 $0x38, v46;
	v6 =	vadd.s32 v6, v10  }
0x254: {  	v5 =	vand.u32 $0x7, v5;
	v6 =	vor.u32 v9, v6  }
0x255: {  	v5 =	vor.u32 v5, v6  }
0x256: {  	[tilespmem:s22+$0x120] =	vst v5  }
0x257: {  	v5 =	vld.idx.msk [tilespmem:v8+s3+$0x0], $0xffff;
	_ =	sdelay $0x1  }
0x258: {  	s31 =	sadd.s32 $0xE0, s25  }
0x259: {  	v6 =	vmov s31  }
0x25a: {  	v48 =	vor.u32 s30, v0;
	v49 =	vshrl.u32 v6, $0x3  }
0x25b: {  	v7 =	vshll.u32 v7, $0x1;
	v9 =	vand.u32 $0x18, v49;
	v50 =	vshll.u32 v5, $0x3  }
0x25c: {  	v7 =	vand.u32 $0xFFFFFE00, v7;
	v9 =	vor.u32 v1, v9;
	v10 =	vand.u32 $0xFFFFFFC0, v50  }
0x25d: {  	v8 =	vand.u32 $0x38, v48;
	v7 =	vadd.s32 v7, v10  }
0x25e: {  	v5 =	vand.u32 $0x7, v5;
	v7 =	vor.u32 v8, v7  }
0x25f: {  	v5 =	vor.u32 v5, v7  }
0x260: {  	[tilespmem:s22+$0x130] =	vst v5  }
0x261: {  	v5 =	vld.idx.msk [tilespmem:v9+s3+$0x0], $0xffff;
	_ =	sdelay $0x4  }
0x262: {  	v6 =	vshll.u32 v6, $0x1;
	v7 =	vshll.u32 v5, $0x3  }
0x263: {  	v51 =	vor.u32 s31, v0;
	v6 =	vand.u32 $0xFFFFFE00, v6;
	v7 =	vand.u32 $0xFFFFFFC0, v7  }
0x264: {  	v8 =	vand.u32 $0x38, v51;
	v6 =	vadd.s32 v6, v7  }
0x265: {  	v5 =	vand.u32 $0x7, v5;
	v6 =	vor.u32 v8, v6  }
0x266: {  	v5 =	vor.u32 v5, v6  }
0x267: {  	s0 =	simm.s32 @!p0 $0x7;
	s4 =	sadd.s32 $0xF0, s25;
	[tilespmem:s22+$0x140] =	vst v5  }
0x268: {  	v5 =	vmov s4;
	_ =	swait.ge @!p0 [sflag:s0], $0x2800  }
0x269: {  	v6 =	vshrl.u32 v5, $0x3;
	[sflag:s0] =	ssyncset.done @!p0 $0x0  }
0x26a: {  	s5 =	sadd.s32 $0x100, s22;
	v6 =	vand.u32 $0x18, v6;
	[sflag:s0] =	ssyncadd.s32 @!p0 $0xFFFFD800  }
0x26b: {  	v6 =	vor.u32 v1, v6;
	[tilespmem:s11], [sflag:$0x3] =	stream.indirect.gather [hbm4b:s1+s10], $0x80, s5, s10, $0xb8;
	[tilespmem:$0xBC80] =	vst v63  }
0x26c: {  	_ =	swait.ge [sflag:s12], $0x2800  }
0x26d: {  	[sflag:s12] =	ssyncset.done $0x0  }
0x26e: {  	s7 =	sadd.s32 $0xA00, s23;
	s6 =	rddreg [dreg:$0x5];
	[sflag:s12] =	ssyncadd.s32 $0xFFFFD800  }
0x26f: {  	[hbm4b:s7+s3] =	stream.linear.scatter [tilespmem:s6], [sflag:$0x5], $0x2800, $0x38;
	[tilespmem:$0xBC80] =	vst v63  }
0x270: {  	v6 =	vld.idx.msk [tilespmem:v6+s3+$0x0], $0xffff;
	_ =	sdelay $0x1  }
0x271: {  	s9 =	sadd.s32 $0x100, s25  }
0x272: {  	v7 =	vmov s9  }
0x273: {  	v52 =	vshrl.u32 v7, $0x3  }
0x274: {  	v8 =	vand.u32 $0x18, v52;
	v5 =	vshll.u32 v5, $0x1;
	v53 =	vshll.u32 v6, $0x3  }
0x275: {  	v8 =	vor.u32 v1, v8;
	v5 =	vand.u32 $0xFFFFFE00, v5;
	v9 =	vand.u32 $0xFFFFFFC0, v53  }
0x276: {  	v6 =	vand.u32 $0x7, v6;
	v5 =	vadd.s32 v5, v9  }
0x277: {  	v5 =	vor.u32 v6, v5  }
0x278: {  	v5 =	vor.u32 v4, v5  }
0x279: {  	[tilespmem:s22+$0x180] =	vst v5  }
0x27a: {  	v5 =	vld.idx.msk [tilespmem:v8+s3+$0x0], $0xffff;
	_ =	sdelay $0x1  }
0x27b: {  	s15 =	sadd.s32 $0x110, s25  }
0x27c: {  	v6 =	vmov s15  }
0x27d: {  	v54 =	vor.u32 s9, v0;
	v55 =	vshrl.u32 v6, $0x3  }
0x27e: {  	v7 =	vshll.u32 v7, $0x1;
	v9 =	vand.u32 $0x18, v55;
	v56 =	vshll.u32 v5, $0x3  }
0x27f: {  	v7 =	vand.u32 $0xFFFFFE00, v7;
	v9 =	vor.u32 v1, v9;
	v10 =	vand.u32 $0xFFFFFFC0, v56  }
0x280: {  	v8 =	vand.u32 $0x38, v54;
	v7 =	vadd.s32 v7, v10  }
0x281: {  	v5 =	vand.u32 $0x7, v5;
	v7 =	vor.u32 v8, v7  }
0x282: {  	v5 =	vor.u32 v5, v7  }
0x283: {  	[tilespmem:s22+$0x190] =	vst v5  }
0x284: {  	v5 =	vld.idx.msk [tilespmem:v9+s3+$0x0], $0xffff;
	_ =	sdelay $0x1  }
0x285: {  	s16 =	sadd.s32 $0x120, s25  }
0x286: {  	v7 =	vmov s16  }
0x287: {  	v57 =	vor.u32 s15, v0;
	v58 =	vshrl.u32 v7, $0x3  }
0x288: {  	v6 =	vshll.u32 v6, $0x1;
	v9 =	vand.u32 $0x18, v58;
	v59 =	vshll.u32 v5, $0x3  }
0x289: {  	v6 =	vand.u32 $0xFFFFFE00, v6;
	v9 =	vor.u32 v1, v9;
	v10 =	vand.u32 $0xFFFFFFC0, v59  }
0x28a: {  	v8 =	vand.u32 $0x38, v57;
	v6 =	vadd.s32 v6, v10  }
0x28b: {  	v5 =	vand.u32 $0x7, v5;
	v6 =	vor.u32 v8, v6  }
0x28c: {  	v5 =	vor.u32 v5, v6  }
0x28d: {  	[tilespmem:s22+$0x1A0] =	vst v5  }
0x28e: {  	v5 =	vld.idx.msk [tilespmem:v9+s3+$0x0], $0xffff;
	_ =	sdelay $0x1  }
0x28f: {  	s17 =	sadd.s32 $0x130, s25  }
0x290: {  	v6 =	vmov s17  }
0x291: {  	v60 =	vor.u32 s16, v0;
	v61 =	vshrl.u32 v6, $0x3  }
0x292: {  	v7 =	vshll.u32 v7, $0x1;
	v9 =	vand.u32 $0x18, v61;
	v62 =	vshll.u32 v5, $0x3  }
0x293: {  	v7 =	vand.u32 $0xFFFFFE00, v7;
	v9 =	vor.u32 v1, v9;
	v10 =	vand.u32 $0xFFFFFFC0, v62  }
0x294: {  	v8 =	vand.u32 $0x38, v60;
	v7 =	vadd.s32 v7, v10  }
0x295: {  	v5 =	vand.u32 $0x7, v5;
	v7 =	vor.u32 v8, v7  }
0x296: {  	v5 =	vor.u32 v5, v7  }
0x297: {  	[tilespmem:s22+$0x1B0] =	vst v5  }
0x298: {  	v5 =	vld.idx.msk [tilespmem:v9+s3+$0x0], $0xffff;
	_ =	sdelay $0x4  }
0x299: {  	v6 =	vshll.u32 v6, $0x1;
	v7 =	vshll.u32 v5, $0x3  }
0x29a: {  	v63 =	vor.u32 s17, v0;
	v6 =	vand.u32 $0xFFFFFE00, v6;
	v7 =	vand.u32 $0xFFFFFFC0, v7  }
0x29b: {  	v8 =	vand.u32 $0x38, v63;
	v6 =	vadd.s32 v6, v7  }
0x29c: {  	v5 =	vand.u32 $0x7, v5;
	v6 =	vor.u32 v8, v6  }
0x29d: {  	v5 =	vor.u32 v5, v6  }
0x29e: {  	s0 =	simm.s32 @!p0 $0x8;
	[tilespmem:s22+$0x1C0] =	vst v5  }
0x29f: {  	_ =	swait.ge @!p0 [sflag:s0], $0x2800  }
0x2a0: {  	[sflag:s0] =	ssyncset.done @!p0 $0x0  }
0x2a1: {  	s18 =	sadd.s32 $0x180, s22;
	[sflag:s0] =	ssyncadd.s32 @!p0 $0xFFFFD800  }
0x2a2: {  	[tilespmem:s13], [sflag:$0x4] =	stream.indirect.gather [hbm4b:s1+s10], $0x80, s18, s10, $0xb8;
	[tilespmem:$0xBC80] =	vst v63  }
0x2a3: {  	_ =	swait.ge [sflag:s14], $0x2800  }
0x2a4: {  	s23 =	sadd.s32 $0xF00, s23;
	[sflag:s14] =	ssyncset.done $0x0  }
0x2a5: {  	s24 =	simm.s32 $0x3;
	s22 =	rddreg [dreg:$0x6];
	[sflag:s14] =	ssyncadd.s32 $0xFFFFD800  }
0x2a6: {  	[hbm4b:s23+s3] =	stream.linear.scatter [tilespmem:s22], [sflag:$0x6], $0x2800, $0x38;
	[tilespmem:$0xBC80] =	vst v63  }
0x2a7: {  	_ =	swait.ge [sflag:s24], $0x2800  }
0x2a8: {  	[sflag:s24] =	ssyncset.done $0x0  }
0x2a9: {  	s26 =	simm.s32 $0x4;
	s25 =	rddreg [dreg:$0x8];
	[sflag:s24] =	ssyncadd.s32 $0xFFFFD800  }
0x2aa: {  	[hbm4b:s25+s3] =	stream.linear.scatter [tilespmem:s11], [sflag:$0x7], $0x2800, $0x38;
	[tilespmem:$0xBC80] =	vst v63  }
0x2ab: {  	_ =	swait.ge [sflag:s26], $0x2800  }
0x2ac: {  	[sflag:s26] =	ssyncset.done $0x0  }
0x2ad: {  	s29 =	simm.s32 $0x5;
	s28 =	rddreg [dreg:$0x9];
	[sflag:s26] =	ssyncadd.s32 $0xFFFFD800  }
0x2ae: {  	[hbm4b:s28+s3] =	stream.linear.scatter [tilespmem:s13], [sflag:$0x8], $0x2800, $0x38;
	[tilespmem:$0xBC80] =	vst v63  }
0x2af: {  	_ =	swait.ge [sflag:s29], $0x2800  }
0x2b0: {  	[sflag:s29] =	ssyncset.done $0x0  }
0x2b1: {  	s30 =	simm.s32 $0x6;
	[sflag:s29] =	ssyncadd.s32 $0xFFFFD800  }
0x2b2: {  	_ =	swait.ge [sflag:s30], $0x2800  }
0x2b3: {  	[sflag:s30] =	ssyncset.done $0x0  }
0x2b4: {  	[sflag:s30] =	ssyncadd.s32 $0xFFFFD800  }
0x2b5: {  	_ =	swait.ge [sflag:s19], $0x2800  }
0x2b6: {  	[sflag:s19] =	ssyncset.done $0x0  }
0x2b7: {  	[sflag:s19] =	ssyncadd.s32 $0xFFFFD800  }
0x2b8: {  	_ =	swait.ge [sflag:s20], $0x2800  }
0x2b9: {  	s21 =	sadd.s32 $0x1, s21;
	s31 =	rddreg [dreg:$0xa]  }
0x2ba: {  	p0 =	sne.s32 s21, s31  }
.Ltmp1:
0x2bb: {  	_ = 	snop;
	(pc) =	sbr.rel @p0 .LBB2_1-.Ltmp1, $3  }
0x2bc: {  	_ =	sdelay $0x1  }
0x2bd: {  	[sflag:s20] =	ssyncset.done $0x0  }
0x2be: {  	[sflag:s20] =	ssyncadd.s32 $0xFFFFD800  }
0x2bf: {  	_ =	sfence.sel $0x180000  }
0x2c0: {  	[bflag:$0x0] =	sbarrier.arrive $0xFFFF  }
0x2c1: {  	_ =	strace $0x90000047  }
0x2c2: {  	s0 =	stileid.u32;
	[bflag:$0x2] =	sbarrier.arrive $0xFFFF  }
0x2c3: {  	p0 =	sne.s32 s0, $0x0;
	s0 =	rddreg [dreg:$0x3]  }
0x2c4: {  	s0 =	sadd.s32 @!p0 $0x100000, s0  }
0x2c5: {  	[sflag:s0] =	ssyncadd.tile.s32 @!p0 $0x1;
	_ =	shalt  }
.Lfunc_end2:
_tile_overlayer_lowered:
.L_overlay_start_2:
0x2c6: {  	(tag) =	ssettag $0x2  }
0x2c7: {  	s0 =	rddreg [dreg:$0x0];
	s2 =	stileid.u32  }
0x2c8: {  	s1 =	rddreg [dreg:$0x1];
	p0 =	sne.s32 s2, $0x0  }
0x2c9: {  	s3 =	rddreg [dreg:$0x2];
	[bflag:$0x3] =	sbarrier.arrive $0xFFFF;
	s2 =	simm.s32 @!p0 $0x1C09  }
0x2ca: {  	[timem:s3], [sflag:s2] =	dma.local @!p0 [hbm:s0], s1  }
0x2cb: {  	s0 =	simm.s32 @!p0 $0x9  }
0x2cc: {  	_ =	swait.ge @!p0 [sflag:s0], s1  }
0x2cd: {  	s1 =	ssub.s32 @!p0 $0x0, s1;
	[sflag:s0] =	ssyncset.done @!p0 $0x0  }
0x2ce: {  	[sflag:s0] =	ssyncadd.s32 @!p0 s1  }
0x2cf: {  	[bflag:$0x3] =	sbarrier.arrive $0xFFFF  }
0x2d0: {  	_ =	shalt  }

</sc_bundles>
